<compile_context>
chip_gen: v7x
topology: tpu7x:2x2x1
jax: 0.10.2.dev20260603
libtpu: 0.0.44.dev20260713+nightly
codegen_flags: <defaults>
</compile_context>

<pallas_src>
import functools

import jax
import jax.numpy as jnp
from jax import lax
from jax.experimental import pallas as pl
from jax.experimental.pallas import tpu as pltpu
from jax.experimental.pallas import tpu_sc as plsc

_B = 4096 * 200
_S = 200
_ROWS_PER_W = 4096 // 32
_D = 50
_V = 1000
_NW = 32
_B_PER_W = _B // _NW
_CHUNK = 128
_GPS = 2
_SUPER = _CHUNK * _GPS
_N_SUPER = _B_PER_W // _SUPER
_SLAB = 40


def _emb_body(idx_hbm, table_hbm, out_hbm, table_sp, table_tv, idx2_v, idx_v,
              rows_a, rows_b, gsem, osem_a, osem_b):
    sid = lax.axis_index("s")
    cid = lax.axis_index("c")
    wid = sid * 2 + cid
    base = wid * _B_PER_W

    @pl.when(sid == 0)
    def _():
        def stage(k, carry):
            r = k * _SLAB
            pltpu.sync_copy(table_hbm.at[pl.ds(r, _SLAB)], table_tv)
            pltpu.sync_copy(table_tv, table_sp.at[pl.ds(r, _SLAB)])
            return carry

        lax.fori_loop(0, _V // _SLAB, stage, 0)

    _OFFS = [16 * j for j in range(8)] + [128 + 16 * m for m in range(4)] + [184]

    for half in range(2):
        pltpu.sync_copy(
            idx_hbm.at[pl.ds(wid * _ROWS_PER_W + half * (_ROWS_PER_W // 2),
                             _ROWS_PER_W // 2)],
            idx2_v,
        )

        def flatten(s, carry):
            dst = (half * (_ROWS_PER_W // 2) + s) * _S
            for off in _OFFS:
                idx_v[pl.ds(dst + off, 16)] = idx2_v[s, pl.ds(off, 16)]
            return carry

        lax.fori_loop(0, _ROWS_PER_W // 2, flatten, 0)
    plsc.subcore_barrier()

    def fill(s, rows):
        pltpu.async_copy(
            table_sp.at[idx_v.at[pl.ds(s * _S, 128)]],
            rows.at[pl.ds(0, 128)],
            gsem,
        ).wait()
        pltpu.async_copy(
            table_sp.at[idx_v.at[pl.ds(s * _S + 128, _S - 128)]],
            rows.at[pl.ds(128, _S - 128)],
            gsem,
        ).wait()

    def body(g, carry):
        for b, rows, osem in ((0, rows_a, osem_a), (1, rows_b, osem_b)):
            s = g * 2 + b

            @pl.when(s >= 2)
            def _():
                pltpu.make_async_copy(
                    rows, out_hbm.at[wid * _ROWS_PER_W + s - 2], osem
                ).wait()

            fill(s, rows)
            pltpu.async_copy(rows, out_hbm.at[wid * _ROWS_PER_W + s], osem)
        return carry

    lax.fori_loop(0, _ROWS_PER_W // 2, body, 0)

    for rows, osem, s in ((rows_a, osem_a, _ROWS_PER_W - 2),
                          (rows_b, osem_b, _ROWS_PER_W - 1)):
        pltpu.make_async_copy(
            rows, out_hbm.at[wid * _ROWS_PER_W + s], osem
        ).wait()


def kernel(pos_ids, table):
    mesh = plsc.VectorSubcoreMesh(core_axis_name="c", subcore_axis_name="s")
    run = pl.kernel(
        _emb_body,
        mesh=mesh,
        out_type=jax.ShapeDtypeStruct((4096, _S, _D), jnp.float32),
        scratch_types=[
            pltpu.VMEM_SHARED((_V, _D), jnp.float32),
            pltpu.VMEM((_SLAB, _D), jnp.float32),
            pltpu.VMEM((_ROWS_PER_W // 2, _S), jnp.int32),
            pltpu.VMEM((_B_PER_W,), jnp.int32),
            pltpu.VMEM((_S, _D), jnp.float32),
            pltpu.VMEM((_S, _D), jnp.float32),
            pltpu.SemaphoreType.DMA,
            pltpu.SemaphoreType.DMA,
            pltpu.SemaphoreType.DMA,
        ],
    )
    return run(pos_ids, table)

# --- scband reference (transcript-rebuilt; emitter-appended) ---
"""Pipeline reference for scband-posembedding-31653908971551 (READ-ONLY COPY).

The authoritative reference and input builder live on the scoring server;
editing this copy changes nothing except your own understanding.
"""

import jax, jax.numpy as jnp
import numpy as np


def setup_inputs(seed: int = 0) -> dict:
    key = jax.random.key(seed)
    k1, k2 = jax.random.split(key)
    pos_ids = jax.random.randint(k1, (4096, 200), 0, 1000, dtype=jnp.int32)
    # nn.Embedding weight ~ N(0,1); padding_idx=0 row is zeroed at init
    table = jax.random.normal(k2, (1000, 50), dtype=jnp.float32)
    table = table.at[0].set(0.0)
    return {"pos_ids": pos_ids, "table": table}


def reference(pos_ids, table):
    # POSEmbedding.forward: embedding lookup -> (batch, seq_len, 50)
    return jnp.take(table, pos_ids, axis=0)

if __name__ == "__main__":
    import jax
    _d = setup_inputs()
    print(jax.jit(kernel)(*tuple(_d.values())))

</pallas_src>

<mosaic_0001>
#map = affine_map<(d0, d1) -> (0, 0)>
#map1 = affine_map<(d0, d1) -> (0, 0, 0)>
module attributes {stable_mosaic.version = 14 : i64} {
  func.func @_emb_body(%arg0: i32, %arg1: i32, %arg2: memref<4096x200xi32, #tpu.memory_space<hbm>>, %arg3: memref<1000x50xf32, #tpu.memory_space<hbm>>, %arg4: memref<4096x200x50xf32, #tpu.memory_space<hbm>>, %arg5: memref<1000x50xf32, #tpu.memory_space<vmem_shared>>, %arg6: memref<40x50xf32, #tpu.memory_space<vmem>>, %arg7: memref<64x200xi32, #tpu.memory_space<vmem>>, %arg8: memref<25600xi32, #tpu.memory_space<vmem>>, %arg9: memref<200x50xf32, #tpu.memory_space<vmem>>, %arg10: memref<200x50xf32, #tpu.memory_space<vmem>>, %arg11: memref<!tpu.dma_semaphore, #tpu.memory_space<semaphore_mem>>, %arg12: memref<!tpu.dma_semaphore, #tpu.memory_space<semaphore_mem>>, %arg13: memref<!tpu.dma_semaphore, #tpu.memory_space<semaphore_mem>>) attributes {dimension_semantics = [#tpu.dimension_semantics<core_parallel>, #tpu.dimension_semantics<subcore_parallel>], iteration_bounds = array<i64: 2, 16>, scalar_prefetch = 0 : i64, scratch_operands = 9 : i64, tpu.core_type = #tpu.core_type<sc_vector_subcore>, window_params = [{transform_indices = #map}, {transform_indices = #map}, {transform_indices = #map1}]} {
    %mul3A = arith.constant 2 : i32
    %mul3A_0 = arith.muli %arg1, %mul3A : i32
    %add3A = arith.addi %mul3A_0, %arg0 : i32
    %mul3A_1 = arith.constant 25600 : i32
    %mul3A_2 = arith.muli %add3A, %mul3A_1 : i32
    %eq3A = arith.constant 0 : i32
    %eq3A_3 = arith.cmpi eq, %arg1, %eq3A : i32
    %convert_element_type3A = arith.extui %eq3A_3 : i1 to i32
    %cond3A = arith.constant 0 : i32
    %cond3A_4 = arith.cmpi ne, %convert_element_type3A, %cond3A : i32
    scf.if %cond3A_4 {
      %scan3A_53 = arith.constant 0 : i32
      %scan3A_54 = arith.constant 0 : i32
      %scan3A_55 = arith.constant 25 : i32
      %scan3A_56 = arith.addi %scan3A_54, %scan3A_55 : i32
      %scan3A_57 = arith.constant 1 : i32
      scf.for %scan3A_59 = %scan3A_54 to %scan3A_56 step %scan3A_57  : i32 {
        %mul3A_60 = arith.constant 40 : i32
        %mul3A_61 = arith.muli %scan3A_59, %mul3A_60 : i32
        "tpu.region"() ({
          %run_scoped3A = tpu.sem_alloc : memref<!tpu.dma_semaphore, #tpu.memory_space<semaphore_mem>>
          %dma_start3A = arith.constant 0 : i32
          %dma_start3A_62 = tpu.memref_slice %arg3[%mul3A_61, %dma_start3A] : memref<1000x50xf32, #tpu.memory_space<hbm>> -> memref<40x50xf32, #tpu.memory_space<hbm>>
          %dma_start3A_63 = arith.constant 0 : i32
          %dma_start3A_64 = tpu.memref_slice %arg3[%mul3A_61, %dma_start3A_63] : memref<1000x50xf32, #tpu.memory_space<hbm>> -> memref<40x50xf32, #tpu.memory_space<hbm>>
          tpu.enqueue_dma source(%dma_start3A_64 : memref<40x50xf32, #tpu.memory_space<hbm>>) target(%arg6 : memref<40x50xf32, #tpu.memory_space<vmem>>) target_semaphore(%run_scoped3A : memref<!tpu.dma_semaphore, #tpu.memory_space<semaphore_mem>>)
          %dma_wait3A_65 = arith.constant 0 : i32
          %dma_wait3A_66 = tpu.memref_slice %arg3[%mul3A_61, %dma_wait3A_65] : memref<1000x50xf32, #tpu.memory_space<hbm>> -> memref<40x50xf32, #tpu.memory_space<hbm>>
          %dma_wait3A_67 = arith.constant 0 : i32
          %dma_wait3A_68 = tpu.memref_slice %arg3[%mul3A_61, %dma_wait3A_67] : memref<1000x50xf32, #tpu.memory_space<hbm>> -> memref<40x50xf32, #tpu.memory_space<hbm>>
          tpu.wait_dma2 semaphore(%run_scoped3A : memref<!tpu.dma_semaphore, #tpu.memory_space<semaphore_mem>>) src(%dma_wait3A_68 : memref<40x50xf32, #tpu.memory_space<hbm>>) dst(%arg6 : memref<40x50xf32, #tpu.memory_space<vmem>>)
          tpu.yield
        }) : () -> ()
        "tpu.region"() ({
          %run_scoped3A = tpu.sem_alloc : memref<!tpu.dma_semaphore, #tpu.memory_space<semaphore_mem>>
          %dma_start3A = arith.constant 0 : i32
          %dma_start3A_62 = tpu.memref_slice %arg5[%mul3A_61, %dma_start3A] : memref<1000x50xf32, #tpu.memory_space<vmem_shared>> -> memref<40x50xf32, #tpu.memory_space<vmem_shared>>
          %dma_start3A_63 = arith.constant 0 : i32
          %dma_start3A_64 = tpu.memref_slice %arg5[%mul3A_61, %dma_start3A_63] : memref<1000x50xf32, #tpu.memory_space<vmem_shared>> -> memref<40x50xf32, #tpu.memory_space<vmem_shared>>
          tpu.enqueue_dma source(%arg6 : memref<40x50xf32, #tpu.memory_space<vmem>>) target(%dma_start3A_64 : memref<40x50xf32, #tpu.memory_space<vmem_shared>>) target_semaphore(%run_scoped3A : memref<!tpu.dma_semaphore, #tpu.memory_space<semaphore_mem>>)
          %dma_wait3A_65 = arith.constant 0 : i32
          %dma_wait3A_66 = tpu.memref_slice %arg5[%mul3A_61, %dma_wait3A_65] : memref<1000x50xf32, #tpu.memory_space<vmem_shared>> -> memref<40x50xf32, #tpu.memory_space<vmem_shared>>
          %dma_wait3A_67 = arith.constant 0 : i32
          %dma_wait3A_68 = tpu.memref_slice %arg5[%mul3A_61, %dma_wait3A_67] : memref<1000x50xf32, #tpu.memory_space<vmem_shared>> -> memref<40x50xf32, #tpu.memory_space<vmem_shared>>
          tpu.wait_dma2 semaphore(%run_scoped3A : memref<!tpu.dma_semaphore, #tpu.memory_space<semaphore_mem>>) src(%arg6 : memref<40x50xf32, #tpu.memory_space<vmem>>) dst(%dma_wait3A_68 : memref<40x50xf32, #tpu.memory_space<vmem_shared>>)
          tpu.yield
        }) : () -> ()
      }
      %scan3A_58 = arith.constant 25 : i32
    } else {
    }
    %mul3A_5 = arith.constant 128 : i32
    %mul3A_6 = arith.muli %add3A, %mul3A_5 : i32
    %add3A_7 = arith.constant 0 : i32
    %add3A_8 = arith.addi %mul3A_6, %add3A_7 : i32
    "tpu.region"() ({
      %run_scoped3A = tpu.sem_alloc : memref<!tpu.dma_semaphore, #tpu.memory_space<semaphore_mem>>
      %dma_start3A = arith.constant 0 : i32
      %dma_start3A_53 = tpu.memref_slice %arg2[%add3A_8, %dma_start3A] : memref<4096x200xi32, #tpu.memory_space<hbm>> -> memref<64x200xi32, #tpu.memory_space<hbm>>
      %dma_start3A_54 = arith.constant 0 : i32
      %dma_start3A_55 = tpu.memref_slice %arg2[%add3A_8, %dma_start3A_54] : memref<4096x200xi32, #tpu.memory_space<hbm>> -> memref<64x200xi32, #tpu.memory_space<hbm>>
      tpu.enqueue_dma source(%dma_start3A_55 : memref<64x200xi32, #tpu.memory_space<hbm>>) target(%arg7 : memref<64x200xi32, #tpu.memory_space<vmem>>) target_semaphore(%run_scoped3A : memref<!tpu.dma_semaphore, #tpu.memory_space<semaphore_mem>>)
      %dma_wait3A_56 = arith.constant 0 : i32
      %dma_wait3A_57 = tpu.memref_slice %arg2[%add3A_8, %dma_wait3A_56] : memref<4096x200xi32, #tpu.memory_space<hbm>> -> memref<64x200xi32, #tpu.memory_space<hbm>>
      %dma_wait3A_58 = arith.constant 0 : i32
      %dma_wait3A_59 = tpu.memref_slice %arg2[%add3A_8, %dma_wait3A_58] : memref<4096x200xi32, #tpu.memory_space<hbm>> -> memref<64x200xi32, #tpu.memory_space<hbm>>
      tpu.wait_dma2 semaphore(%run_scoped3A : memref<!tpu.dma_semaphore, #tpu.memory_space<semaphore_mem>>) src(%dma_wait3A_59 : memref<64x200xi32, #tpu.memory_space<hbm>>) dst(%arg7 : memref<64x200xi32, #tpu.memory_space<vmem>>)
      tpu.yield
    }) : () -> ()
    %scan3A = arith.constant 0 : i32
    %scan3A_9 = arith.constant 0 : i32
    %scan3A_10 = arith.constant 64 : i32
    %scan3A_11 = arith.addi %scan3A_9, %scan3A_10 : i32
    %scan3A_12 = arith.constant 1 : i32
    scf.for %scan3A_53 = %scan3A_9 to %scan3A_11 step %scan3A_12  : i32 {
      %add3A_54 = arith.constant 0 : i32
      %add3A_55 = arith.addi %add3A_54, %scan3A_53 : i32
      %mul3A_56 = arith.constant 200 : i32
      %mul3A_57 = arith.muli %add3A_55, %mul3A_56 : i32
      %get3A = arith.index_cast %scan3A_53 : i32 to index
      %get3A_58 = arith.constant 0 : index
      %get3A_59 = tpu.vector_load %arg7[%get3A, %get3A_58] {strides = array<i32>} : memref<64x200xi32, #tpu.memory_space<vmem>>, vector<1x16xi32>,
      %get3A_60 = vector.shape_cast %get3A_59 : vector<1x16xi32> to vector<16xi32>
      %add3A_61 = arith.constant 0 : i32
      %add3A_62 = arith.addi %mul3A_57, %add3A_61 : i32
      %swap3A = arith.index_cast %add3A_62 : i32 to index
      %swap3A_63 = tpu.vector_load %arg8[%swap3A] {strides = array<i32>} : memref<25600xi32, #tpu.memory_space<vmem>>, vector<16xi32>,
      %swap3A_64 = vector.shape_cast %swap3A_63 : vector<16xi32> to vector<16xi32>
      %swap3A_65 = vector.shape_cast %get3A_60 : vector<16xi32> to vector<16xi32>
      tpu.vector_store %arg8[%swap3A], %swap3A_65 {strides = array<i32>} : memref<25600xi32, #tpu.memory_space<vmem>>, vector<16xi32>,
      %get3A_66 = arith.index_cast %scan3A_53 : i32 to index
      %get3A_67 = arith.constant 16 : index
      %get3A_68 = tpu.vector_load %arg7[%get3A_66, %get3A_67] {strides = array<i32>} : memref<64x200xi32, #tpu.memory_space<vmem>>, vector<1x16xi32>,
      %get3A_69 = vector.shape_cast %get3A_68 : vector<1x16xi32> to vector<16xi32>
      %add3A_70 = arith.constant 16 : i32
      %add3A_71 = arith.addi %mul3A_57, %add3A_70 : i32
      %swap3A_72 = arith.index_cast %add3A_71 : i32 to index
      %swap3A_73 = tpu.vector_load %arg8[%swap3A_72] {strides = array<i32>} : memref<25600xi32, #tpu.memory_space<vmem>>, vector<16xi32>,
      %swap3A_74 = vector.shape_cast %swap3A_73 : vector<16xi32> to vector<16xi32>
      %swap3A_75 = vector.shape_cast %get3A_69 : vector<16xi32> to vector<16xi32>
      tpu.vector_store %arg8[%swap3A_72], %swap3A_75 {strides = array<i32>} : memref<25600xi32, #tpu.memory_space<vmem>>, vector<16xi32>,
      %get3A_76 = arith.index_cast %scan3A_53 : i32 to index
      %get3A_77 = arith.constant 32 : index
      %get3A_78 = tpu.vector_load %arg7[%get3A_76, %get3A_77] {strides = array<i32>} : memref<64x200xi32, #tpu.memory_space<vmem>>, vector<1x16xi32>,
      %get3A_79 = vector.shape_cast %get3A_78 : vector<1x16xi32> to vector<16xi32>
      %add3A_80 = arith.constant 32 : i32
      %add3A_81 = arith.addi %mul3A_57, %add3A_80 : i32
      %swap3A_82 = arith.index_cast %add3A_81 : i32 to index
      %swap3A_83 = tpu.vector_load %arg8[%swap3A_82] {strides = array<i32>} : memref<25600xi32, #tpu.memory_space<vmem>>, vector<16xi32>,
      %swap3A_84 = vector.shape_cast %swap3A_83 : vector<16xi32> to vector<16xi32>
      %swap3A_85 = vector.shape_cast %get3A_79 : vector<16xi32> to vector<16xi32>
      tpu.vector_store %arg8[%swap3A_82], %swap3A_85 {strides = array<i32>} : memref<25600xi32, #tpu.memory_space<vmem>>, vector<16xi32>,
      %get3A_86 = arith.index_cast %scan3A_53 : i32 to index
      %get3A_87 = arith.constant 48 : index
      %get3A_88 = tpu.vector_load %arg7[%get3A_86, %get3A_87] {strides = array<i32>} : memref<64x200xi32, #tpu.memory_space<vmem>>, vector<1x16xi32>,
      %get3A_89 = vector.shape_cast %get3A_88 : vector<1x16xi32> to vector<16xi32>
      %add3A_90 = arith.constant 48 : i32
      %add3A_91 = arith.addi %mul3A_57, %add3A_90 : i32
      %swap3A_92 = arith.index_cast %add3A_91 : i32 to index
      %swap3A_93 = tpu.vector_load %arg8[%swap3A_92] {strides = array<i32>} : memref<25600xi32, #tpu.memory_space<vmem>>, vector<16xi32>,
      %swap3A_94 = vector.shape_cast %swap3A_93 : vector<16xi32> to vector<16xi32>
      %swap3A_95 = vector.shape_cast %get3A_89 : vector<16xi32> to vector<16xi32>
      tpu.vector_store %arg8[%swap3A_92], %swap3A_95 {strides = array<i32>} : memref<25600xi32, #tpu.memory_space<vmem>>, vector<16xi32>,
      %get3A_96 = arith.index_cast %scan3A_53 : i32 to index
      %get3A_97 = arith.constant 64 : index
      %get3A_98 = tpu.vector_load %arg7[%get3A_96, %get3A_97] {strides = array<i32>} : memref<64x200xi32, #tpu.memory_space<vmem>>, vector<1x16xi32>,
      %get3A_99 = vector.shape_cast %get3A_98 : vector<1x16xi32> to vector<16xi32>
      %add3A_100 = arith.constant 64 : i32
      %add3A_101 = arith.addi %mul3A_57, %add3A_100 : i32
      %swap3A_102 = arith.index_cast %add3A_101 : i32 to index
      %swap3A_103 = tpu.vector_load %arg8[%swap3A_102] {strides = array<i32>} : memref<25600xi32, #tpu.memory_space<vmem>>, vector<16xi32>,
      %swap3A_104 = vector.shape_cast %swap3A_103 : vector<16xi32> to vector<16xi32>
      %swap3A_105 = vector.shape_cast %get3A_99 : vector<16xi32> to vector<16xi32>
      tpu.vector_store %arg8[%swap3A_102], %swap3A_105 {strides = array<i32>} : memref<25600xi32, #tpu.memory_space<vmem>>, vector<16xi32>,
      %get3A_106 = arith.index_cast %scan3A_53 : i32 to index
      %get3A_107 = arith.constant 80 : index
      %get3A_108 = tpu.vector_load %arg7[%get3A_106, %get3A_107] {strides = array<i32>} : memref<64x200xi32, #tpu.memory_space<vmem>>, vector<1x16xi32>,
      %get3A_109 = vector.shape_cast %get3A_108 : vector<1x16xi32> to vector<16xi32>
      %add3A_110 = arith.constant 80 : i32
      %add3A_111 = arith.addi %mul3A_57, %add3A_110 : i32
      %swap3A_112 = arith.index_cast %add3A_111 : i32 to index
      %swap3A_113 = tpu.vector_load %arg8[%swap3A_112] {strides = array<i32>} : memref<25600xi32, #tpu.memory_space<vmem>>, vector<16xi32>,
      %swap3A_114 = vector.shape_cast %swap3A_113 : vector<16xi32> to vector<16xi32>
      %swap3A_115 = vector.shape_cast %get3A_109 : vector<16xi32> to vector<16xi32>
      tpu.vector_store %arg8[%swap3A_112], %swap3A_115 {strides = array<i32>} : memref<25600xi32, #tpu.memory_space<vmem>>, vector<16xi32>,
      %get3A_116 = arith.index_cast %scan3A_53 : i32 to index
      %get3A_117 = arith.constant 96 : index
      %get3A_118 = tpu.vector_load %arg7[%get3A_116, %get3A_117] {strides = array<i32>} : memref<64x200xi32, #tpu.memory_space<vmem>>, vector<1x16xi32>,
      %get3A_119 = vector.shape_cast %get3A_118 : vector<1x16xi32> to vector<16xi32>
      %add3A_120 = arith.constant 96 : i32
      %add3A_121 = arith.addi %mul3A_57, %add3A_120 : i32
      %swap3A_122 = arith.index_cast %add3A_121 : i32 to index
      %swap3A_123 = tpu.vector_load %arg8[%swap3A_122] {strides = array<i32>} : memref<25600xi32, #tpu.memory_space<vmem>>, vector<16xi32>,
      %swap3A_124 = vector.shape_cast %swap3A_123 : vector<16xi32> to vector<16xi32>
      %swap3A_125 = vector.shape_cast %get3A_119 : vector<16xi32> to vector<16xi32>
      tpu.vector_store %arg8[%swap3A_122], %swap3A_125 {strides = array<i32>} : memref<25600xi32, #tpu.memory_space<vmem>>, vector<16xi32>,
      %get3A_126 = arith.index_cast %scan3A_53 : i32 to index
      %get3A_127 = arith.constant 112 : index
      %get3A_128 = tpu.vector_load %arg7[%get3A_126, %get3A_127] {strides = array<i32>} : memref<64x200xi32, #tpu.memory_space<vmem>>, vector<1x16xi32>,
      %get3A_129 = vector.shape_cast %get3A_128 : vector<1x16xi32> to vector<16xi32>
      %add3A_130 = arith.constant 112 : i32
      %add3A_131 = arith.addi %mul3A_57, %add3A_130 : i32
      %swap3A_132 = arith.index_cast %add3A_131 : i32 to index
      %swap3A_133 = tpu.vector_load %arg8[%swap3A_132] {strides = array<i32>} : memref<25600xi32, #tpu.memory_space<vmem>>, vector<16xi32>,
      %swap3A_134 = vector.shape_cast %swap3A_133 : vector<16xi32> to vector<16xi32>
      %swap3A_135 = vector.shape_cast %get3A_129 : vector<16xi32> to vector<16xi32>
      tpu.vector_store %arg8[%swap3A_132], %swap3A_135 {strides = array<i32>} : memref<25600xi32, #tpu.memory_space<vmem>>, vector<16xi32>,
      %get3A_136 = arith.index_cast %scan3A_53 : i32 to index
      %get3A_137 = arith.constant 128 : index
      %get3A_138 = tpu.vector_load %arg7[%get3A_136, %get3A_137] {strides = array<i32>} : memref<64x200xi32, #tpu.memory_space<vmem>>, vector<1x16xi32>,
      %get3A_139 = vector.shape_cast %get3A_138 : vector<1x16xi32> to vector<16xi32>
      %add3A_140 = arith.constant 128 : i32
      %add3A_141 = arith.addi %mul3A_57, %add3A_140 : i32
      %swap3A_142 = arith.index_cast %add3A_141 : i32 to index
      %swap3A_143 = tpu.vector_load %arg8[%swap3A_142] {strides = array<i32>} : memref<25600xi32, #tpu.memory_space<vmem>>, vector<16xi32>,
      %swap3A_144 = vector.shape_cast %swap3A_143 : vector<16xi32> to vector<16xi32>
      %swap3A_145 = vector.shape_cast %get3A_139 : vector<16xi32> to vector<16xi32>
      tpu.vector_store %arg8[%swap3A_142], %swap3A_145 {strides = array<i32>} : memref<25600xi32, #tpu.memory_space<vmem>>, vector<16xi32>,
      %get3A_146 = arith.index_cast %scan3A_53 : i32 to index
      %get3A_147 = arith.constant 144 : index
      %get3A_148 = tpu.vector_load %arg7[%get3A_146, %get3A_147] {strides = array<i32>} : memref<64x200xi32, #tpu.memory_space<vmem>>, vector<1x16xi32>,
      %get3A_149 = vector.shape_cast %get3A_148 : vector<1x16xi32> to vector<16xi32>
      %add3A_150 = arith.constant 144 : i32
      %add3A_151 = arith.addi %mul3A_57, %add3A_150 : i32
      %swap3A_152 = arith.index_cast %add3A_151 : i32 to index
      %swap3A_153 = tpu.vector_load %arg8[%swap3A_152] {strides = array<i32>} : memref<25600xi32, #tpu.memory_space<vmem>>, vector<16xi32>,
      %swap3A_154 = vector.shape_cast %swap3A_153 : vector<16xi32> to vector<16xi32>
      %swap3A_155 = vector.shape_cast %get3A_149 : vector<16xi32> to vector<16xi32>
      tpu.vector_store %arg8[%swap3A_152], %swap3A_155 {strides = array<i32>} : memref<25600xi32, #tpu.memory_space<vmem>>, vector<16xi32>,
      %get3A_156 = arith.index_cast %scan3A_53 : i32 to index
      %get3A_157 = arith.constant 160 : index
      %get3A_158 = tpu.vector_load %arg7[%get3A_156, %get3A_157] {strides = array<i32>} : memref<64x200xi32, #tpu.memory_space<vmem>>, vector<1x16xi32>,
      %get3A_159 = vector.shape_cast %get3A_158 : vector<1x16xi32> to vector<16xi32>
      %add3A_160 = arith.constant 160 : i32
      %add3A_161 = arith.addi %mul3A_57, %add3A_160 : i32
      %swap3A_162 = arith.index_cast %add3A_161 : i32 to index
      %swap3A_163 = tpu.vector_load %arg8[%swap3A_162] {strides = array<i32>} : memref<25600xi32, #tpu.memory_space<vmem>>, vector<16xi32>,
      %swap3A_164 = vector.shape_cast %swap3A_163 : vector<16xi32> to vector<16xi32>
      %swap3A_165 = vector.shape_cast %get3A_159 : vector<16xi32> to vector<16xi32>
      tpu.vector_store %arg8[%swap3A_162], %swap3A_165 {strides = array<i32>} : memref<25600xi32, #tpu.memory_space<vmem>>, vector<16xi32>,
      %get3A_166 = arith.index_cast %scan3A_53 : i32 to index
      %get3A_167 = arith.constant 176 : index
      %get3A_168 = tpu.vector_load %arg7[%get3A_166, %get3A_167] {strides = array<i32>} : memref<64x200xi32, #tpu.memory_space<vmem>>, vector<1x16xi32>,
      %get3A_169 = vector.shape_cast %get3A_168 : vector<1x16xi32> to vector<16xi32>
      %add3A_170 = arith.constant 176 : i32
      %add3A_171 = arith.addi %mul3A_57, %add3A_170 : i32
      %swap3A_172 = arith.index_cast %add3A_171 : i32 to index
      %swap3A_173 = tpu.vector_load %arg8[%swap3A_172] {strides = array<i32>} : memref<25600xi32, #tpu.memory_space<vmem>>, vector<16xi32>,
      %swap3A_174 = vector.shape_cast %swap3A_173 : vector<16xi32> to vector<16xi32>
      %swap3A_175 = vector.shape_cast %get3A_169 : vector<16xi32> to vector<16xi32>
      tpu.vector_store %arg8[%swap3A_172], %swap3A_175 {strides = array<i32>} : memref<25600xi32, #tpu.memory_space<vmem>>, vector<16xi32>,
      %get3A_176 = arith.index_cast %scan3A_53 : i32 to index
      %get3A_177 = arith.constant 184 : index
      %get3A_178 = tpu.vector_load %arg7[%get3A_176, %get3A_177] {strides = array<i32>} : memref<64x200xi32, #tpu.memory_space<vmem>>, vector<1x16xi32>,
      %get3A_179 = vector.shape_cast %get3A_178 : vector<1x16xi32> to vector<16xi32>
      %add3A_180 = arith.constant 184 : i32
      %add3A_181 = arith.addi %mul3A_57, %add3A_180 : i32
      %swap3A_182 = arith.index_cast %add3A_181 : i32 to index
      %swap3A_183 = tpu.vector_load %arg8[%swap3A_182] {strides = array<i32>} : memref<25600xi32, #tpu.memory_space<vmem>>, vector<16xi32>,
      %swap3A_184 = vector.shape_cast %swap3A_183 : vector<16xi32> to vector<16xi32>
      %swap3A_185 = vector.shape_cast %get3A_179 : vector<16xi32> to vector<16xi32>
      tpu.vector_store %arg8[%swap3A_182], %swap3A_185 {strides = array<i32>} : memref<25600xi32, #tpu.memory_space<vmem>>, vector<16xi32>,
    }
    %scan3A_13 = arith.constant 64 : i32
    %mul3A_14 = arith.constant 128 : i32
    %mul3A_15 = arith.muli %add3A, %mul3A_14 : i32
    %add3A_16 = arith.constant 64 : i32
    %add3A_17 = arith.addi %mul3A_15, %add3A_16 : i32
    "tpu.region"() ({
      %run_scoped3A = tpu.sem_alloc : memref<!tpu.dma_semaphore, #tpu.memory_space<semaphore_mem>>
      %dma_start3A = arith.constant 0 : i32
      %dma_start3A_53 = tpu.memref_slice %arg2[%add3A_17, %dma_start3A] : memref<4096x200xi32, #tpu.memory_space<hbm>> -> memref<64x200xi32, #tpu.memory_space<hbm>>
      %dma_start3A_54 = arith.constant 0 : i32
      %dma_start3A_55 = tpu.memref_slice %arg2[%add3A_17, %dma_start3A_54] : memref<4096x200xi32, #tpu.memory_space<hbm>> -> memref<64x200xi32, #tpu.memory_space<hbm>>
      tpu.enqueue_dma source(%dma_start3A_55 : memref<64x200xi32, #tpu.memory_space<hbm>>) target(%arg7 : memref<64x200xi32, #tpu.memory_space<vmem>>) target_semaphore(%run_scoped3A : memref<!tpu.dma_semaphore, #tpu.memory_space<semaphore_mem>>)
      %dma_wait3A_56 = arith.constant 0 : i32
      %dma_wait3A_57 = tpu.memref_slice %arg2[%add3A_17, %dma_wait3A_56] : memref<4096x200xi32, #tpu.memory_space<hbm>> -> memref<64x200xi32, #tpu.memory_space<hbm>>
      %dma_wait3A_58 = arith.constant 0 : i32
      %dma_wait3A_59 = tpu.memref_slice %arg2[%add3A_17, %dma_wait3A_58] : memref<4096x200xi32, #tpu.memory_space<hbm>> -> memref<64x200xi32, #tpu.memory_space<hbm>>
      tpu.wait_dma2 semaphore(%run_scoped3A : memref<!tpu.dma_semaphore, #tpu.memory_space<semaphore_mem>>) src(%dma_wait3A_59 : memref<64x200xi32, #tpu.memory_space<hbm>>) dst(%arg7 : memref<64x200xi32, #tpu.memory_space<vmem>>)
      tpu.yield
    }) : () -> ()
    %scan3A_18 = arith.constant 0 : i32
    %scan3A_19 = arith.constant 0 : i32
    %scan3A_20 = arith.constant 64 : i32
    %scan3A_21 = arith.addi %scan3A_19, %scan3A_20 : i32
    %scan3A_22 = arith.constant 1 : i32
    scf.for %scan3A_53 = %scan3A_19 to %scan3A_21 step %scan3A_22  : i32 {
      %add3A_54 = arith.constant 64 : i32
      %add3A_55 = arith.addi %add3A_54, %scan3A_53 : i32
      %mul3A_56 = arith.constant 200 : i32
      %mul3A_57 = arith.muli %add3A_55, %mul3A_56 : i32
      %get3A = arith.index_cast %scan3A_53 : i32 to index
      %get3A_58 = arith.constant 0 : index
      %get3A_59 = tpu.vector_load %arg7[%get3A, %get3A_58] {strides = array<i32>} : memref<64x200xi32, #tpu.memory_space<vmem>>, vector<1x16xi32>,
      %get3A_60 = vector.shape_cast %get3A_59 : vector<1x16xi32> to vector<16xi32>
      %add3A_61 = arith.constant 0 : i32
      %add3A_62 = arith.addi %mul3A_57, %add3A_61 : i32
      %swap3A = arith.index_cast %add3A_62 : i32 to index
      %swap3A_63 = tpu.vector_load %arg8[%swap3A] {strides = array<i32>} : memref<25600xi32, #tpu.memory_space<vmem>>, vector<16xi32>,
      %swap3A_64 = vector.shape_cast %swap3A_63 : vector<16xi32> to vector<16xi32>
      %swap3A_65 = vector.shape_cast %get3A_60 : vector<16xi32> to vector<16xi32>
      tpu.vector_store %arg8[%swap3A], %swap3A_65 {strides = array<i32>} : memref<25600xi32, #tpu.memory_space<vmem>>, vector<16xi32>,
      %get3A_66 = arith.index_cast %scan3A_53 : i32 to index
      %get3A_67 = arith.constant 16 : index
      %get3A_68 = tpu.vector_load %arg7[%get3A_66, %get3A_67] {strides = array<i32>} : memref<64x200xi32, #tpu.memory_space<vmem>>, vector<1x16xi32>,
      %get3A_69 = vector.shape_cast %get3A_68 : vector<1x16xi32> to vector<16xi32>
      %add3A_70 = arith.constant 16 : i32
      %add3A_71 = arith.addi %mul3A_57, %add3A_70 : i32
      %swap3A_72 = arith.index_cast %add3A_71 : i32 to index
      %swap3A_73 = tpu.vector_load %arg8[%swap3A_72] {strides = array<i32>} : memref<25600xi32, #tpu.memory_space<vmem>>, vector<16xi32>,
      %swap3A_74 = vector.shape_cast %swap3A_73 : vector<16xi32> to vector<16xi32>
      %swap3A_75 = vector.shape_cast %get3A_69 : vector<16xi32> to vector<16xi32>
      tpu.vector_store %arg8[%swap3A_72], %swap3A_75 {strides = array<i32>} : memref<25600xi32, #tpu.memory_space<vmem>>, vector<16xi32>,
      %get3A_76 = arith.index_cast %scan3A_53 : i32 to index
      %get3A_77 = arith.constant 32 : index
      %get3A_78 = tpu.vector_load %arg7[%get3A_76, %get3A_77] {strides = array<i32>} : memref<64x200xi32, #tpu.memory_space<vmem>>, vector<1x16xi32>,
      %get3A_79 = vector.shape_cast %get3A_78 : vector<1x16xi32> to vector<16xi32>
      %add3A_80 = arith.constant 32 : i32
      %add3A_81 = arith.addi %mul3A_57, %add3A_80 : i32
      %swap3A_82 = arith.index_cast %add3A_81 : i32 to index
      %swap3A_83 = tpu.vector_load %arg8[%swap3A_82] {strides = array<i32>} : memref<25600xi32, #tpu.memory_space<vmem>>, vector<16xi32>,
      %swap3A_84 = vector.shape_cast %swap3A_83 : vector<16xi32> to vector<16xi32>
      %swap3A_85 = vector.shape_cast %get3A_79 : vector<16xi32> to vector<16xi32>
      tpu.vector_store %arg8[%swap3A_82], %swap3A_85 {strides = array<i32>} : memref<25600xi32, #tpu.memory_space<vmem>>, vector<16xi32>,
      %get3A_86 = arith.index_cast %scan3A_53 : i32 to index
      %get3A_87 = arith.constant 48 : index
      %get3A_88 = tpu.vector_load %arg7[%get3A_86, %get3A_87] {strides = array<i32>} : memref<64x200xi32, #tpu.memory_space<vmem>>, vector<1x16xi32>,
      %get3A_89 = vector.shape_cast %get3A_88 : vector<1x16xi32> to vector<16xi32>
      %add3A_90 = arith.constant 48 : i32
      %add3A_91 = arith.addi %mul3A_57, %add3A_90 : i32
      %swap3A_92 = arith.index_cast %add3A_91 : i32 to index
      %swap3A_93 = tpu.vector_load %arg8[%swap3A_92] {strides = array<i32>} : memref<25600xi32, #tpu.memory_space<vmem>>, vector<16xi32>,
      %swap3A_94 = vector.shape_cast %swap3A_93 : vector<16xi32> to vector<16xi32>
      %swap3A_95 = vector.shape_cast %get3A_89 : vector<16xi32> to vector<16xi32>
      tpu.vector_store %arg8[%swap3A_92], %swap3A_95 {strides = array<i32>} : memref<25600xi32, #tpu.memory_space<vmem>>, vector<16xi32>,
      %get3A_96 = arith.index_cast %scan3A_53 : i32 to index
      %get3A_97 = arith.constant 64 : index
      %get3A_98 = tpu.vector_load %arg7[%get3A_96, %get3A_97] {strides = array<i32>} : memref<64x200xi32, #tpu.memory_space<vmem>>, vector<1x16xi32>,
      %get3A_99 = vector.shape_cast %get3A_98 : vector<1x16xi32> to vector<16xi32>
      %add3A_100 = arith.constant 64 : i32
      %add3A_101 = arith.addi %mul3A_57, %add3A_100 : i32
      %swap3A_102 = arith.index_cast %add3A_101 : i32 to index
      %swap3A_103 = tpu.vector_load %arg8[%swap3A_102] {strides = array<i32>} : memref<25600xi32, #tpu.memory_space<vmem>>, vector<16xi32>,
      %swap3A_104 = vector.shape_cast %swap3A_103 : vector<16xi32> to vector<16xi32>
      %swap3A_105 = vector.shape_cast %get3A_99 : vector<16xi32> to vector<16xi32>
      tpu.vector_store %arg8[%swap3A_102], %swap3A_105 {strides = array<i32>} : memref<25600xi32, #tpu.memory_space<vmem>>, vector<16xi32>,
      %get3A_106 = arith.index_cast %scan3A_53 : i32 to index
      %get3A_107 = arith.constant 80 : index
      %get3A_108 = tpu.vector_load %arg7[%get3A_106, %get3A_107] {strides = array<i32>} : memref<64x200xi32, #tpu.memory_space<vmem>>, vector<1x16xi32>,
      %get3A_109 = vector.shape_cast %get3A_108 : vector<1x16xi32> to vector<16xi32>
      %add3A_110 = arith.constant 80 : i32
      %add3A_111 = arith.addi %mul3A_57, %add3A_110 : i32
      %swap3A_112 = arith.index_cast %add3A_111 : i32 to index
      %swap3A_113 = tpu.vector_load %arg8[%swap3A_112] {strides = array<i32>} : memref<25600xi32, #tpu.memory_space<vmem>>, vector<16xi32>,
      %swap3A_114 = vector.shape_cast %swap3A_113 : vector<16xi32> to vector<16xi32>
      %swap3A_115 = vector.shape_cast %get3A_109 : vector<16xi32> to vector<16xi32>
      tpu.vector_store %arg8[%swap3A_112], %swap3A_115 {strides = array<i32>} : memref<25600xi32, #tpu.memory_space<vmem>>, vector<16xi32>,
      %get3A_116 = arith.index_cast %scan3A_53 : i32 to index
      %get3A_117 = arith.constant 96 : index
      %get3A_118 = tpu.vector_load %arg7[%get3A_116, %get3A_117] {strides = array<i32>} : memref<64x200xi32, #tpu.memory_space<vmem>>, vector<1x16xi32>,
      %get3A_119 = vector.shape_cast %get3A_118 : vector<1x16xi32> to vector<16xi32>
      %add3A_120 = arith.constant 96 : i32
      %add3A_121 = arith.addi %mul3A_57, %add3A_120 : i32
      %swap3A_122 = arith.index_cast %add3A_121 : i32 to index
      %swap3A_123 = tpu.vector_load %arg8[%swap3A_122] {strides = array<i32>} : memref<25600xi32, #tpu.memory_space<vmem>>, vector<16xi32>,
      %swap3A_124 = vector.shape_cast %swap3A_123 : vector<16xi32> to vector<16xi32>
      %swap3A_125 = vector.shape_cast %get3A_119 : vector<16xi32> to vector<16xi32>
      tpu.vector_store %arg8[%swap3A_122], %swap3A_125 {strides = array<i32>} : memref<25600xi32, #tpu.memory_space<vmem>>, vector<16xi32>,
      %get3A_126 = arith.index_cast %scan3A_53 : i32 to index
      %get3A_127 = arith.constant 112 : index
      %get3A_128 = tpu.vector_load %arg7[%get3A_126, %get3A_127] {strides = array<i32>} : memref<64x200xi32, #tpu.memory_space<vmem>>, vector<1x16xi32>,
      %get3A_129 = vector.shape_cast %get3A_128 : vector<1x16xi32> to vector<16xi32>
      %add3A_130 = arith.constant 112 : i32
      %add3A_131 = arith.addi %mul3A_57, %add3A_130 : i32
      %swap3A_132 = arith.index_cast %add3A_131 : i32 to index
      %swap3A_133 = tpu.vector_load %arg8[%swap3A_132] {strides = array<i32>} : memref<25600xi32, #tpu.memory_space<vmem>>, vector<16xi32>,
      %swap3A_134 = vector.shape_cast %swap3A_133 : vector<16xi32> to vector<16xi32>
      %swap3A_135 = vector.shape_cast %get3A_129 : vector<16xi32> to vector<16xi32>
      tpu.vector_store %arg8[%swap3A_132], %swap3A_135 {strides = array<i32>} : memref<25600xi32, #tpu.memory_space<vmem>>, vector<16xi32>,
      %get3A_136 = arith.index_cast %scan3A_53 : i32 to index
      %get3A_137 = arith.constant 128 : index
      %get3A_138 = tpu.vector_load %arg7[%get3A_136, %get3A_137] {strides = array<i32>} : memref<64x200xi32, #tpu.memory_space<vmem>>, vector<1x16xi32>,
      %get3A_139 = vector.shape_cast %get3A_138 : vector<1x16xi32> to vector<16xi32>
      %add3A_140 = arith.constant 128 : i32
      %add3A_141 = arith.addi %mul3A_57, %add3A_140 : i32
      %swap3A_142 = arith.index_cast %add3A_141 : i32 to index
      %swap3A_143 = tpu.vector_load %arg8[%swap3A_142] {strides = array<i32>} : memref<25600xi32, #tpu.memory_space<vmem>>, vector<16xi32>,
      %swap3A_144 = vector.shape_cast %swap3A_143 : vector<16xi32> to vector<16xi32>
      %swap3A_145 = vector.shape_cast %get3A_139 : vector<16xi32> to vector<16xi32>
      tpu.vector_store %arg8[%swap3A_142], %swap3A_145 {strides = array<i32>} : memref<25600xi32, #tpu.memory_space<vmem>>, vector<16xi32>,
      %get3A_146 = arith.index_cast %scan3A_53 : i32 to index
      %get3A_147 = arith.constant 144 : index
      %get3A_148 = tpu.vector_load %arg7[%get3A_146, %get3A_147] {strides = array<i32>} : memref<64x200xi32, #tpu.memory_space<vmem>>, vector<1x16xi32>,
      %get3A_149 = vector.shape_cast %get3A_148 : vector<1x16xi32> to vector<16xi32>
      %add3A_150 = arith.constant 144 : i32
      %add3A_151 = arith.addi %mul3A_57, %add3A_150 : i32
      %swap3A_152 = arith.index_cast %add3A_151 : i32 to index
      %swap3A_153 = tpu.vector_load %arg8[%swap3A_152] {strides = array<i32>} : memref<25600xi32, #tpu.memory_space<vmem>>, vector<16xi32>,
      %swap3A_154 = vector.shape_cast %swap3A_153 : vector<16xi32> to vector<16xi32>
      %swap3A_155 = vector.shape_cast %get3A_149 : vector<16xi32> to vector<16xi32>
      tpu.vector_store %arg8[%swap3A_152], %swap3A_155 {strides = array<i32>} : memref<25600xi32, #tpu.memory_space<vmem>>, vector<16xi32>,
      %get3A_156 = arith.index_cast %scan3A_53 : i32 to index
      %get3A_157 = arith.constant 160 : index
      %get3A_158 = tpu.vector_load %arg7[%get3A_156, %get3A_157] {strides = array<i32>} : memref<64x200xi32, #tpu.memory_space<vmem>>, vector<1x16xi32>,
      %get3A_159 = vector.shape_cast %get3A_158 : vector<1x16xi32> to vector<16xi32>
      %add3A_160 = arith.constant 160 : i32
      %add3A_161 = arith.addi %mul3A_57, %add3A_160 : i32
      %swap3A_162 = arith.index_cast %add3A_161 : i32 to index
      %swap3A_163 = tpu.vector_load %arg8[%swap3A_162] {strides = array<i32>} : memref<25600xi32, #tpu.memory_space<vmem>>, vector<16xi32>,
      %swap3A_164 = vector.shape_cast %swap3A_163 : vector<16xi32> to vector<16xi32>
      %swap3A_165 = vector.shape_cast %get3A_159 : vector<16xi32> to vector<16xi32>
      tpu.vector_store %arg8[%swap3A_162], %swap3A_165 {strides = array<i32>} : memref<25600xi32, #tpu.memory_space<vmem>>, vector<16xi32>,
      %get3A_166 = arith.index_cast %scan3A_53 : i32 to index
      %get3A_167 = arith.constant 176 : index
      %get3A_168 = tpu.vector_load %arg7[%get3A_166, %get3A_167] {strides = array<i32>} : memref<64x200xi32, #tpu.memory_space<vmem>>, vector<1x16xi32>,
      %get3A_169 = vector.shape_cast %get3A_168 : vector<1x16xi32> to vector<16xi32>
      %add3A_170 = arith.constant 176 : i32
      %add3A_171 = arith.addi %mul3A_57, %add3A_170 : i32
      %swap3A_172 = arith.index_cast %add3A_171 : i32 to index
      %swap3A_173 = tpu.vector_load %arg8[%swap3A_172] {strides = array<i32>} : memref<25600xi32, #tpu.memory_space<vmem>>, vector<16xi32>,
      %swap3A_174 = vector.shape_cast %swap3A_173 : vector<16xi32> to vector<16xi32>
      %swap3A_175 = vector.shape_cast %get3A_169 : vector<16xi32> to vector<16xi32>
      tpu.vector_store %arg8[%swap3A_172], %swap3A_175 {strides = array<i32>} : memref<25600xi32, #tpu.memory_space<vmem>>, vector<16xi32>,
      %get3A_176 = arith.index_cast %scan3A_53 : i32 to index
      %get3A_177 = arith.constant 184 : index
      %get3A_178 = tpu.vector_load %arg7[%get3A_176, %get3A_177] {strides = array<i32>} : memref<64x200xi32, #tpu.memory_space<vmem>>, vector<1x16xi32>,
      %get3A_179 = vector.shape_cast %get3A_178 : vector<1x16xi32> to vector<16xi32>
      %add3A_180 = arith.constant 184 : i32
      %add3A_181 = arith.addi %mul3A_57, %add3A_180 : i32
      %swap3A_182 = arith.index_cast %add3A_181 : i32 to index
      %swap3A_183 = tpu.vector_load %arg8[%swap3A_182] {strides = array<i32>} : memref<25600xi32, #tpu.memory_space<vmem>>, vector<16xi32>,
      %swap3A_184 = vector.shape_cast %swap3A_183 : vector<16xi32> to vector<16xi32>
      %swap3A_185 = vector.shape_cast %get3A_179 : vector<16xi32> to vector<16xi32>
      tpu.vector_store %arg8[%swap3A_182], %swap3A_185 {strides = array<i32>} : memref<25600xi32, #tpu.memory_space<vmem>>, vector<16xi32>,
    }
    %scan3A_23 = arith.constant 64 : i32
    %barrier3A = arith.constant 0 : index
    tpu.barrier barrier_id(%barrier3A)
    %scan3A_24 = arith.constant 0 : i32
    %scan3A_25 = arith.constant 0 : i32
    %scan3A_26 = arith.constant 64 : i32
    %scan3A_27 = arith.addi %scan3A_25, %scan3A_26 : i32
    %scan3A_28 = arith.constant 1 : i32
    scf.for %scan3A_53 = %scan3A_25 to %scan3A_27 step %scan3A_28  : i32 {
      %mul3A_54 = arith.constant 2 : i32
      %mul3A_55 = arith.muli %scan3A_53, %mul3A_54 : i32
      %add3A_56 = arith.constant 0 : i32
      %add3A_57 = arith.addi %mul3A_55, %add3A_56 : i32
      %ge3A = arith.constant 2 : i32
      %ge3A_58 = arith.cmpi sge, %add3A_57, %ge3A : i32
      %convert_element_type3A_59 = arith.extui %ge3A_58 : i1 to i32
      %cond3A_60 = arith.constant 0 : i32
      %cond3A_61 = arith.cmpi ne, %convert_element_type3A_59, %cond3A_60 : i32
      scf.if %cond3A_61 {
        %mul3A_160 = arith.constant 128 : i32
        %mul3A_161 = arith.muli %add3A, %mul3A_160 : i32
        %add3A_162 = arith.addi %mul3A_161, %add3A_57 : i32
        %sub3A = arith.constant 2 : i32
        %sub3A_163 = arith.subi %add3A_162, %sub3A : i32
        %dma_wait3A_164 = arith.constant 0 : i32
        %dma_wait3A_165 = arith.constant 0 : i32
        %dma_wait3A_166 = tpu.memref_slice %arg4[%sub3A_163, %dma_wait3A_164, %dma_wait3A_165] : memref<4096x200x50xf32, #tpu.memory_space<hbm>> -> memref<1x200x50xf32, #tpu.memory_space<hbm>>
        %dma_wait3A_167 = tpu.memref_squeeze %dma_wait3A_166 : memref<1x200x50xf32, #tpu.memory_space<hbm>> -> memref<200x50xf32, #tpu.memory_space<hbm>>
        %dma_wait3A_168 = arith.constant 0 : i32
        %dma_wait3A_169 = arith.constant 0 : i32
        %dma_wait3A_170 = tpu.memref_slice %arg4[%sub3A_163, %dma_wait3A_168, %dma_wait3A_169] : memref<4096x200x50xf32, #tpu.memory_space<hbm>> -> memref<1x200x50xf32, #tpu.memory_space<hbm>>
        %dma_wait3A_171 = tpu.memref_squeeze %dma_wait3A_170 : memref<1x200x50xf32, #tpu.memory_space<hbm>> -> memref<200x50xf32, #tpu.memory_space<hbm>>
        tpu.wait_dma2 semaphore(%arg12 : memref<!tpu.dma_semaphore, #tpu.memory_space<semaphore_mem>>) src(%arg9 : memref<200x50xf32, #tpu.memory_space<vmem>>) dst(%dma_wait3A_171 : memref<200x50xf32, #tpu.memory_space<hbm>>)
      } else {
      }
      %mul3A_62 = arith.constant 200 : i32
      %mul3A_63 = arith.muli %add3A_57, %mul3A_62 : i32
      %dma_start3A = arith.constant 0 : i32
      %dma_start3A_64 = arith.constant 0 : i32
      %dma_start3A_65 = tpu.memref_slice %arg9[%dma_start3A, %dma_start3A_64] : memref<200x50xf32, #tpu.memory_space<vmem>> -> memref<128x50xf32, #tpu.memory_space<vmem>>
      %dma_start3A_66 = tpu.memref_slice %arg8[%mul3A_63] : memref<25600xi32, #tpu.memory_space<vmem>> -> memref<128xi32, #tpu.memory_space<vmem>>
      %dma_start3A_67 = arith.constant 0 : i32
      %dma_start3A_68 = arith.constant 0 : i32
      %dma_start3A_69 = tpu.memref_slice %arg5[%dma_start3A_67, %dma_start3A_68] : memref<1000x50xf32, #tpu.memory_space<vmem_shared>> -> memref<1000x50xf32, #tpu.memory_space<vmem_shared>>
      tpu.enqueue_indirect_dma source(%dma_start3A_69 : memref<1000x50xf32, #tpu.memory_space<vmem_shared>>) target(%dma_start3A_65 : memref<128x50xf32, #tpu.memory_space<vmem>>) offsets(%dma_start3A_66 : memref<128xi32, #tpu.memory_space<vmem>>) semaphore(%arg11 : memref<!tpu.dma_semaphore, #tpu.memory_space<semaphore_mem>>)
      %dma_wait3A_70 = arith.constant 0 : i32
      %dma_wait3A_71 = arith.constant 0 : i32
      %dma_wait3A_72 = tpu.memref_slice %arg9[%dma_wait3A_70, %dma_wait3A_71] : memref<200x50xf32, #tpu.memory_space<vmem>> -> memref<128x50xf32, #tpu.memory_space<vmem>>
      %dma_wait3A_73 = tpu.memref_slice %arg8[%mul3A_63] : memref<25600xi32, #tpu.memory_space<vmem>> -> memref<128xi32, #tpu.memory_space<vmem>>
      %dma_wait3A_74 = arith.constant 0 : i32
      %dma_wait3A_75 = arith.constant 0 : i32
      %dma_wait3A_76 = tpu.memref_slice %arg5[%dma_wait3A_74, %dma_wait3A_75] : memref<1000x50xf32, #tpu.memory_space<vmem_shared>> -> memref<1000x50xf32, #tpu.memory_space<vmem_shared>>
      tpu.wait_indirect_dma semaphore(%arg11 : memref<!tpu.dma_semaphore, #tpu.memory_space<semaphore_mem>>) src(%dma_wait3A_76 : memref<1000x50xf32, #tpu.memory_space<vmem_shared>>) dst(%dma_wait3A_72 : memref<128x50xf32, #tpu.memory_space<vmem>>)
      %mul3A_77 = arith.constant 200 : i32
      %mul3A_78 = arith.muli %add3A_57, %mul3A_77 : i32
      %add3A_79 = arith.constant 128 : i32
      %add3A_80 = arith.addi %mul3A_78, %add3A_79 : i32
      %dma_start3A_81 = arith.constant 128 : i32
      %dma_start3A_82 = arith.constant 0 : i32
      %dma_start3A_83 = tpu.memref_slice %arg9[%dma_start3A_81, %dma_start3A_82] : memref<200x50xf32, #tpu.memory_space<vmem>> -> memref<72x50xf32, #tpu.memory_space<vmem>>
      %dma_start3A_84 = tpu.memref_slice %arg8[%add3A_80] : memref<25600xi32, #tpu.memory_space<vmem>> -> memref<72xi32, #tpu.memory_space<vmem>>
      %dma_start3A_85 = arith.constant 0 : i32
      %dma_start3A_86 = arith.constant 0 : i32
      %dma_start3A_87 = tpu.memref_slice %arg5[%dma_start3A_85, %dma_start3A_86] : memref<1000x50xf32, #tpu.memory_space<vmem_shared>> -> memref<1000x50xf32, #tpu.memory_space<vmem_shared>>
      tpu.enqueue_indirect_dma source(%dma_start3A_87 : memref<1000x50xf32, #tpu.memory_space<vmem_shared>>) target(%dma_start3A_83 : memref<72x50xf32, #tpu.memory_space<vmem>>) offsets(%dma_start3A_84 : memref<72xi32, #tpu.memory_space<vmem>>) semaphore(%arg11 : memref<!tpu.dma_semaphore, #tpu.memory_space<semaphore_mem>>)
      %dma_wait3A_88 = arith.constant 128 : i32
      %dma_wait3A_89 = arith.constant 0 : i32
      %dma_wait3A_90 = tpu.memref_slice %arg9[%dma_wait3A_88, %dma_wait3A_89] : memref<200x50xf32, #tpu.memory_space<vmem>> -> memref<72x50xf32, #tpu.memory_space<vmem>>
      %dma_wait3A_91 = tpu.memref_slice %arg8[%add3A_80] : memref<25600xi32, #tpu.memory_space<vmem>> -> memref<72xi32, #tpu.memory_space<vmem>>
      %dma_wait3A_92 = arith.constant 0 : i32
      %dma_wait3A_93 = arith.constant 0 : i32
      %dma_wait3A_94 = tpu.memref_slice %arg5[%dma_wait3A_92, %dma_wait3A_93] : memref<1000x50xf32, #tpu.memory_space<vmem_shared>> -> memref<1000x50xf32, #tpu.memory_space<vmem_shared>>
      tpu.wait_indirect_dma semaphore(%arg11 : memref<!tpu.dma_semaphore, #tpu.memory_space<semaphore_mem>>) src(%dma_wait3A_94 : memref<1000x50xf32, #tpu.memory_space<vmem_shared>>) dst(%dma_wait3A_90 : memref<72x50xf32, #tpu.memory_space<vmem>>)
      %mul3A_95 = arith.constant 128 : i32
      %mul3A_96 = arith.muli %add3A, %mul3A_95 : i32
      %add3A_97 = arith.addi %mul3A_96, %add3A_57 : i32
      %dma_start3A_98 = arith.constant 0 : i32
      %dma_start3A_99 = arith.constant 0 : i32
      %dma_start3A_100 = tpu.memref_slice %arg4[%add3A_97, %dma_start3A_98, %dma_start3A_99] : memref<4096x200x50xf32, #tpu.memory_space<hbm>> -> memref<1x200x50xf32, #tpu.memory_space<hbm>>
      %dma_start3A_101 = tpu.memref_squeeze %dma_start3A_100 : memref<1x200x50xf32, #tpu.memory_space<hbm>> -> memref<200x50xf32, #tpu.memory_space<hbm>>
      %dma_start3A_102 = arith.constant 0 : i32
      %dma_start3A_103 = arith.constant 0 : i32
      %dma_start3A_104 = tpu.memref_slice %arg4[%add3A_97, %dma_start3A_102, %dma_start3A_103] : memref<4096x200x50xf32, #tpu.memory_space<hbm>> -> memref<1x200x50xf32, #tpu.memory_space<hbm>>
      %dma_start3A_105 = tpu.memref_squeeze %dma_start3A_104 : memref<1x200x50xf32, #tpu.memory_space<hbm>> -> memref<200x50xf32, #tpu.memory_space<hbm>>
      tpu.enqueue_dma source(%arg9 : memref<200x50xf32, #tpu.memory_space<vmem>>) target(%dma_start3A_105 : memref<200x50xf32, #tpu.memory_space<hbm>>) target_semaphore(%arg12 : memref<!tpu.dma_semaphore, #tpu.memory_space<semaphore_mem>>)
      %mul3A_106 = arith.constant 2 : i32
      %mul3A_107 = arith.muli %scan3A_53, %mul3A_106 : i32
      %add3A_108 = arith.constant 1 : i32
      %add3A_109 = arith.addi %mul3A_107, %add3A_108 : i32
      %ge3A_110 = arith.constant 2 : i32
      %ge3A_111 = arith.cmpi sge, %add3A_109, %ge3A_110 : i32
      %convert_element_type3A_112 = arith.extui %ge3A_111 : i1 to i32
      %cond3A_113 = arith.constant 0 : i32
      %cond3A_114 = arith.cmpi ne, %convert_element_type3A_112, %cond3A_113 : i32
      scf.if %cond3A_114 {
        %mul3A_160 = arith.constant 128 : i32
        %mul3A_161 = arith.muli %add3A, %mul3A_160 : i32
        %add3A_162 = arith.addi %mul3A_161, %add3A_109 : i32
        %sub3A = arith.constant 2 : i32
        %sub3A_163 = arith.subi %add3A_162, %sub3A : i32
        %dma_wait3A_164 = arith.constant 0 : i32
        %dma_wait3A_165 = arith.constant 0 : i32
        %dma_wait3A_166 = tpu.memref_slice %arg4[%sub3A_163, %dma_wait3A_164, %dma_wait3A_165] : memref<4096x200x50xf32, #tpu.memory_space<hbm>> -> memref<1x200x50xf32, #tpu.memory_space<hbm>>
        %dma_wait3A_167 = tpu.memref_squeeze %dma_wait3A_166 : memref<1x200x50xf32, #tpu.memory_space<hbm>> -> memref<200x50xf32, #tpu.memory_space<hbm>>
        %dma_wait3A_168 = arith.constant 0 : i32
        %dma_wait3A_169 = arith.constant 0 : i32
        %dma_wait3A_170 = tpu.memref_slice %arg4[%sub3A_163, %dma_wait3A_168, %dma_wait3A_169] : memref<4096x200x50xf32, #tpu.memory_space<hbm>> -> memref<1x200x50xf32, #tpu.memory_space<hbm>>
        %dma_wait3A_171 = tpu.memref_squeeze %dma_wait3A_170 : memref<1x200x50xf32, #tpu.memory_space<hbm>> -> memref<200x50xf32, #tpu.memory_space<hbm>>
        tpu.wait_dma2 semaphore(%arg13 : memref<!tpu.dma_semaphore, #tpu.memory_space<semaphore_mem>>) src(%arg10 : memref<200x50xf32, #tpu.memory_space<vmem>>) dst(%dma_wait3A_171 : memref<200x50xf32, #tpu.memory_space<hbm>>)
      } else {
      }
      %mul3A_115 = arith.constant 200 : i32
      %mul3A_116 = arith.muli %add3A_109, %mul3A_115 : i32
      %dma_start3A_117 = arith.constant 0 : i32
      %dma_start3A_118 = arith.constant 0 : i32
      %dma_start3A_119 = tpu.memref_slice %arg10[%dma_start3A_117, %dma_start3A_118] : memref<200x50xf32, #tpu.memory_space<vmem>> -> memref<128x50xf32, #tpu.memory_space<vmem>>
      %dma_start3A_120 = tpu.memref_slice %arg8[%mul3A_116] : memref<25600xi32, #tpu.memory_space<vmem>> -> memref<128xi32, #tpu.memory_space<vmem>>
      %dma_start3A_121 = arith.constant 0 : i32
      %dma_start3A_122 = arith.constant 0 : i32
      %dma_start3A_123 = tpu.memref_slice %arg5[%dma_start3A_121, %dma_start3A_122] : memref<1000x50xf32, #tpu.memory_space<vmem_shared>> -> memref<1000x50xf32, #tpu.memory_space<vmem_shared>>
      tpu.enqueue_indirect_dma source(%dma_start3A_123 : memref<1000x50xf32, #tpu.memory_space<vmem_shared>>) target(%dma_start3A_119 : memref<128x50xf32, #tpu.memory_space<vmem>>) offsets(%dma_start3A_120 : memref<128xi32, #tpu.memory_space<vmem>>) semaphore(%arg11 : memref<!tpu.dma_semaphore, #tpu.memory_space<semaphore_mem>>)
      %dma_wait3A_124 = arith.constant 0 : i32
      %dma_wait3A_125 = arith.constant 0 : i32
      %dma_wait3A_126 = tpu.memref_slice %arg10[%dma_wait3A_124, %dma_wait3A_125] : memref<200x50xf32, #tpu.memory_space<vmem>> -> memref<128x50xf32, #tpu.memory_space<vmem>>
      %dma_wait3A_127 = tpu.memref_slice %arg8[%mul3A_116] : memref<25600xi32, #tpu.memory_space<vmem>> -> memref<128xi32, #tpu.memory_space<vmem>>
      %dma_wait3A_128 = arith.constant 0 : i32
      %dma_wait3A_129 = arith.constant 0 : i32
      %dma_wait3A_130 = tpu.memref_slice %arg5[%dma_wait3A_128, %dma_wait3A_129] : memref<1000x50xf32, #tpu.memory_space<vmem_shared>> -> memref<1000x50xf32, #tpu.memory_space<vmem_shared>>
      tpu.wait_indirect_dma semaphore(%arg11 : memref<!tpu.dma_semaphore, #tpu.memory_space<semaphore_mem>>) src(%dma_wait3A_130 : memref<1000x50xf32, #tpu.memory_space<vmem_shared>>) dst(%dma_wait3A_126 : memref<128x50xf32, #tpu.memory_space<vmem>>)
      %mul3A_131 = arith.constant 200 : i32
      %mul3A_132 = arith.muli %add3A_109, %mul3A_131 : i32
      %add3A_133 = arith.constant 128 : i32
      %add3A_134 = arith.addi %mul3A_132, %add3A_133 : i32
      %dma_start3A_135 = arith.constant 128 : i32
      %dma_start3A_136 = arith.constant 0 : i32
      %dma_start3A_137 = tpu.memref_slice %arg10[%dma_start3A_135, %dma_start3A_136] : memref<200x50xf32, #tpu.memory_space<vmem>> -> memref<72x50xf32, #tpu.memory_space<vmem>>
      %dma_start3A_138 = tpu.memref_slice %arg8[%add3A_134] : memref<25600xi32, #tpu.memory_space<vmem>> -> memref<72xi32, #tpu.memory_space<vmem>>
      %dma_start3A_139 = arith.constant 0 : i32
      %dma_start3A_140 = arith.constant 0 : i32
      %dma_start3A_141 = tpu.memref_slice %arg5[%dma_start3A_139, %dma_start3A_140] : memref<1000x50xf32, #tpu.memory_space<vmem_shared>> -> memref<1000x50xf32, #tpu.memory_space<vmem_shared>>
      tpu.enqueue_indirect_dma source(%dma_start3A_141 : memref<1000x50xf32, #tpu.memory_space<vmem_shared>>) target(%dma_start3A_137 : memref<72x50xf32, #tpu.memory_space<vmem>>) offsets(%dma_start3A_138 : memref<72xi32, #tpu.memory_space<vmem>>) semaphore(%arg11 : memref<!tpu.dma_semaphore, #tpu.memory_space<semaphore_mem>>)
      %dma_wait3A_142 = arith.constant 128 : i32
      %dma_wait3A_143 = arith.constant 0 : i32
      %dma_wait3A_144 = tpu.memref_slice %arg10[%dma_wait3A_142, %dma_wait3A_143] : memref<200x50xf32, #tpu.memory_space<vmem>> -> memref<72x50xf32, #tpu.memory_space<vmem>>
      %dma_wait3A_145 = tpu.memref_slice %arg8[%add3A_134] : memref<25600xi32, #tpu.memory_space<vmem>> -> memref<72xi32, #tpu.memory_space<vmem>>
      %dma_wait3A_146 = arith.constant 0 : i32
      %dma_wait3A_147 = arith.constant 0 : i32
      %dma_wait3A_148 = tpu.memref_slice %arg5[%dma_wait3A_146, %dma_wait3A_147] : memref<1000x50xf32, #tpu.memory_space<vmem_shared>> -> memref<1000x50xf32, #tpu.memory_space<vmem_shared>>
      tpu.wait_indirect_dma semaphore(%arg11 : memref<!tpu.dma_semaphore, #tpu.memory_space<semaphore_mem>>) src(%dma_wait3A_148 : memref<1000x50xf32, #tpu.memory_space<vmem_shared>>) dst(%dma_wait3A_144 : memref<72x50xf32, #tpu.memory_space<vmem>>)
      %mul3A_149 = arith.constant 128 : i32
      %mul3A_150 = arith.muli %add3A, %mul3A_149 : i32
      %add3A_151 = arith.addi %mul3A_150, %add3A_109 : i32
      %dma_start3A_152 = arith.constant 0 : i32
      %dma_start3A_153 = arith.constant 0 : i32
      %dma_start3A_154 = tpu.memref_slice %arg4[%add3A_151, %dma_start3A_152, %dma_start3A_153] : memref<4096x200x50xf32, #tpu.memory_space<hbm>> -> memref<1x200x50xf32, #tpu.memory_space<hbm>>
      %dma_start3A_155 = tpu.memref_squeeze %dma_start3A_154 : memref<1x200x50xf32, #tpu.memory_space<hbm>> -> memref<200x50xf32, #tpu.memory_space<hbm>>
      %dma_start3A_156 = arith.constant 0 : i32
      %dma_start3A_157 = arith.constant 0 : i32
      %dma_start3A_158 = tpu.memref_slice %arg4[%add3A_151, %dma_start3A_156, %dma_start3A_157] : memref<4096x200x50xf32, #tpu.memory_space<hbm>> -> memref<1x200x50xf32, #tpu.memory_space<hbm>>
      %dma_start3A_159 = tpu.memref_squeeze %dma_start3A_158 : memref<1x200x50xf32, #tpu.memory_space<hbm>> -> memref<200x50xf32, #tpu.memory_space<hbm>>
      tpu.enqueue_dma source(%arg10 : memref<200x50xf32, #tpu.memory_space<vmem>>) target(%dma_start3A_159 : memref<200x50xf32, #tpu.memory_space<hbm>>) target_semaphore(%arg13 : memref<!tpu.dma_semaphore, #tpu.memory_space<semaphore_mem>>)
    }
    %scan3A_29 = arith.constant 64 : i32
    %mul3A_30 = arith.constant 128 : i32
    %mul3A_31 = arith.muli %add3A, %mul3A_30 : i32
    %add3A_32 = arith.constant 126 : i32
    %add3A_33 = arith.addi %mul3A_31, %add3A_32 : i32
    %dma_wait3A = arith.constant 0 : i32
    %dma_wait3A_34 = arith.constant 0 : i32
    %dma_wait3A_35 = tpu.memref_slice %arg4[%add3A_33, %dma_wait3A, %dma_wait3A_34] : memref<4096x200x50xf32, #tpu.memory_space<hbm>> -> memref<1x200x50xf32, #tpu.memory_space<hbm>>
    %dma_wait3A_36 = tpu.memref_squeeze %dma_wait3A_35 : memref<1x200x50xf32, #tpu.memory_space<hbm>> -> memref<200x50xf32, #tpu.memory_space<hbm>>
    %dma_wait3A_37 = arith.constant 0 : i32
    %dma_wait3A_38 = arith.constant 0 : i32
    %dma_wait3A_39 = tpu.memref_slice %arg4[%add3A_33, %dma_wait3A_37, %dma_wait3A_38] : memref<4096x200x50xf32, #tpu.memory_space<hbm>> -> memref<1x200x50xf32, #tpu.memory_space<hbm>>
    %dma_wait3A_40 = tpu.memref_squeeze %dma_wait3A_39 : memref<1x200x50xf32, #tpu.memory_space<hbm>> -> memref<200x50xf32, #tpu.memory_space<hbm>>
    tpu.wait_dma2 semaphore(%arg12 : memref<!tpu.dma_semaphore, #tpu.memory_space<semaphore_mem>>) src(%arg9 : memref<200x50xf32, #tpu.memory_space<vmem>>) dst(%dma_wait3A_40 : memref<200x50xf32, #tpu.memory_space<hbm>>)
    %mul3A_41 = arith.constant 128 : i32
    %mul3A_42 = arith.muli %add3A, %mul3A_41 : i32
    %add3A_43 = arith.constant 127 : i32
    %add3A_44 = arith.addi %mul3A_42, %add3A_43 : i32
    %dma_wait3A_45 = arith.constant 0 : i32
    %dma_wait3A_46 = arith.constant 0 : i32
    %dma_wait3A_47 = tpu.memref_slice %arg4[%add3A_44, %dma_wait3A_45, %dma_wait3A_46] : memref<4096x200x50xf32, #tpu.memory_space<hbm>> -> memref<1x200x50xf32, #tpu.memory_space<hbm>>
    %dma_wait3A_48 = tpu.memref_squeeze %dma_wait3A_47 : memref<1x200x50xf32, #tpu.memory_space<hbm>> -> memref<200x50xf32, #tpu.memory_space<hbm>>
    %dma_wait3A_49 = arith.constant 0 : i32
    %dma_wait3A_50 = arith.constant 0 : i32
    %dma_wait3A_51 = tpu.memref_slice %arg4[%add3A_44, %dma_wait3A_49, %dma_wait3A_50] : memref<4096x200x50xf32, #tpu.memory_space<hbm>> -> memref<1x200x50xf32, #tpu.memory_space<hbm>>
    %dma_wait3A_52 = tpu.memref_squeeze %dma_wait3A_51 : memref<1x200x50xf32, #tpu.memory_space<hbm>> -> memref<200x50xf32, #tpu.memory_space<hbm>>
    tpu.wait_dma2 semaphore(%arg13 : memref<!tpu.dma_semaphore, #tpu.memory_space<semaphore_mem>>) src(%arg10 : memref<200x50xf32, #tpu.memory_space<vmem>>) dst(%dma_wait3A_52 : memref<200x50xf32, #tpu.memory_space<hbm>>)
    return
  }
}

</mosaic_0001>

<sc_bundles>
// kernel: kernel.3.cloned.1.call-start
scs
__scs_entry_jumppad:
0x0: {  	(pc) =	sbr.rel $0x88, $3  }
0x1: {  	(tag) =	ssettag $0x0;
	lr =	simm.s32 $0x1  }
0x2: {  	[smem:$0x3F9F] =	sst lr;
	_ =	strace $0xD0000000  }
0x3: {  	_ = 	snop  }
0x4: {  	_ = 	snop  }
0x5: {  	_ = 	snop  }
0x6: {  	_ = 	snop  }
0x7: {  	_ = 	snop  }
__scs_overlays_trampoline_lowered:
0x8: {  	[smem:$0x3FAE] =	sst s0  }
0x9: {  	[smem:$0x3FAF] =	sst s1  }
0xa: {  	[smem:$0x3FB0] =	sst s2  }
0xb: {  	[smem:$0x3FB1] =	sst s3  }
0xc: {  	[smem:$0x3FB2] =	sst s4  }
0xd: {  	[smem:$0x3FB3] =	sst s5  }
0xe: {  	[smem:$0x3FB4] =	sst s6  }
0xf: {  	[smem:$0x3FB5] =	sst s7  }
0x10: {  	[smem:$0x3FB6] =	sst s8  }
0x11: {  	[smem:$0x3FB7] =	sst s9;
	s0 =	simm.s32 @!p0 $0x0  }
0x12: {  	s1 =	sld [smem:$0x3F9D];
	s0 =	simm.s32 @p0 $0x1  }
0x13: {  	[smem:$0x3FB8] =	sst s0;
	s0 =	simm.s32 @!p1 $0x0  }
0x14: {  	s2 =	sld [smem:$0x3F9C];
	s0 =	simm.s32 @p1 $0x1  }
0x15: {  	[smem:$0x3FB9] =	sst s0;
	s0 =	simm.s32 @!p2 $0x0  }
0x16: {  	s3 =	sld [smem:$0x3FDB];
	s0 =	simm.s32 @p2 $0x1  }
0x17: {  	s4 =	simm.s32 $0x1BF5;
	[smem:$0x3FBB] =	sst s0  }
0x18: {  	s0 =	sld [smem:$0x3F9E];
	_ =	swait.ge [sflag:s4], $0x0  }
0x19: {  	s7 =	sld [smem:$0x3F9F]  }
0x1a: {  	s8 =	sadd.s32 $0xFFFFE003, lr  }
0x1b: {  	s9 =	sadd.s32 $0xFFFFFEF7, lr;
	s5 =	simm.s32 $0xFFFFFFFF;
	p2 =	slt.u32 s8, $0xFFFFF086  }
0x1c: {  	p1 =	slt.u32 s9, $0xF7A;
	s5 =	simm.s32 @!p2 $0x0  }
0x1d: {  	s5 =	simm.s32 @p1 $0x1;
	p0 =	seq.s32 s7, s2  }
0x1e: {  	s7 =	smul.u32 @!p0 $0xF7A, s2;
	p2 =	seq.s32 @!p0 s5, $0x0  }
0x1f: {  	s9 =	smul.u32 $0xF7A, s1;
	s8 =	simm.s32 @!p0 $0x1BF5;
	p2 =	por !p2, p0  }
0x20: {  	[sflag:s8] =	ssyncset.s32 @!p0 $0xFFFFF086;
	s6 =	sadd.s32 @!p0 s3, s7;
	s7 =	simm.s32 @!p0 $0x108  }
0x21: {  	s3 =	sadd.s32 s3, s9;
	s6 =	sadd.s32 @!p0 $0x88, s6;
	s7 =	simm.s32 @p2 $0x1082  }
0x22: {  	[simem:s7], [sflag:s8] =	dma.local @!p0 [hbm:s6], $0xF7A  }
0x23: {  	s9 =	sor.u32 $0xD0000000, s2;
	s6 =	simm.s32 $0x108;
	_ =	swait.ge @!p0 [sflag:s8], $0x0  }
0x24: {  	s3 =	sadd.s32 $0x88, s3;
	s6 =	simm.s32 @!p1 $0x1082;
	[sflag:s4] =	ssyncset.s32 $0xFFFFF086  }
0x25: {  	[simem:s6], [sflag:s4] =	dma.local [hbm:s3], $0xF7A  }
0x26: {  	[smem:$0x3F9F] =	sst s1;
	(tag) =	ssettag s2;
	_ =	strace s9  }
0x27: {  	s1 =	sld [smem:$0x3FAF]  }
0x28: {  	s2 =	sld [smem:$0x3FB0]  }
0x29: {  	s4 =	sld [smem:$0x3FB2]  }
0x2a: {  	p0 =	seq.s32 s5, $0x0;
	s5 =	sld [smem:$0x3FB3]  }
0x2b: {  	s6 =	sld [smem:$0x3FB4]  }
0x2c: {  	s7 =	sld [smem:$0x3FB5]  }
0x2d: {  	s3 =	simm.s32 $0x108;
	s8 =	sld [smem:$0x3FB6]  }
0x2e: {  	s3 =	simm.s32 @!p0 $0x1082;
	s9 =	sld [smem:$0x3FB7]  }
0x2f: {  	lr =	sadd.s32 s0, s3;
	s0 =	sld [smem:$0x3FAE]  }
0x30: {  	s3 =	sld [smem:$0x3FB1]  }
0x31: {  	[smem:$0x3FBA] =	sst s10  }
0x32: {  	s10 =	sld [smem:$0x3FB8];
	_ =	sdelay $0x3  }
0x33: {  	p0 =	seq.s32 s10, $0x1;
	s10 =	sld [smem:$0x3FBA];
	_ =	sdelay $0x3  }
0x34: {  	[smem:$0x3FBA] =	sst s10  }
0x35: {  	s10 =	sld [smem:$0x3FB9];
	_ =	sdelay $0x3  }
0x36: {  	p1 =	seq.s32 s10, $0x1;
	s10 =	sld [smem:$0x3FBA];
	_ =	sdelay $0x3  }
0x37: {  	[smem:$0x3FBA] =	sst s10  }
0x38: {  	s10 =	sld [smem:$0x3FBB]  }
0x39: {  	_ = 	snop;
	(pc) =	sbr.ind lr, $3  }
0x3a: {  	_ = 	snop  }
0x3b: {  	_ = 	snop  }
0x3c: {  	p2 =	seq.s32 s10, $0x1;
	s10 =	sld [smem:$0x3FBA]  }
0x3d: {  	_ =	shalt  }
0x3e: {  	_ =	shalt  }
0x3f: {  	_ =	shalt  }
0x40: {  	_ =	shalt  }
0x41: {  	_ =	shalt  }
0x42: {  	_ =	shalt  }
0x43: {  	_ =	shalt  }
0x44: {  	_ =	shalt  }
0x45: {  	_ =	shalt  }
0x46: {  	_ =	shalt  }
0x47: {  	_ =	shalt  }
0x48: {  	_ =	shalt  }
0x49: {  	_ =	shalt  }
0x4a: {  	_ =	shalt  }
0x4b: {  	_ =	shalt  }
0x4c: {  	_ =	shalt  }
0x4d: {  	_ =	shalt  }
0x4e: {  	_ =	shalt  }
0x4f: {  	_ =	shalt  }
0x50: {  	_ =	shalt  }
0x51: {  	_ =	shalt  }
0x52: {  	_ =	shalt  }
0x53: {  	_ =	shalt  }
0x54: {  	_ =	shalt  }
0x55: {  	_ =	shalt  }
0x56: {  	_ =	shalt  }
0x57: {  	_ =	shalt  }
0x58: {  	_ =	shalt  }
0x59: {  	_ =	shalt  }
0x5a: {  	_ =	shalt  }
0x5b: {  	_ =	shalt  }
0x5c: {  	_ =	shalt  }
0x5d: {  	_ =	shalt  }
0x5e: {  	_ =	shalt  }
0x5f: {  	_ =	shalt  }
0x60: {  	_ =	shalt  }
0x61: {  	_ =	shalt  }
0x62: {  	_ =	shalt  }
0x63: {  	_ =	shalt  }
0x64: {  	_ =	shalt  }
0x65: {  	_ =	shalt  }
0x66: {  	_ =	shalt  }
0x67: {  	_ =	shalt  }
0x68: {  	_ =	shalt  }
0x69: {  	_ =	shalt  }
0x6a: {  	_ =	shalt  }
0x6b: {  	_ =	shalt  }
0x6c: {  	_ =	shalt  }
0x6d: {  	_ =	shalt  }
0x6e: {  	_ =	shalt  }
0x6f: {  	_ =	shalt  }
0x70: {  	_ =	shalt  }
0x71: {  	_ =	shalt  }
0x72: {  	_ =	shalt  }
0x73: {  	_ =	shalt  }
0x74: {  	_ =	shalt  }
0x75: {  	_ =	shalt  }
0x76: {  	_ =	shalt  }
0x77: {  	_ =	shalt  }
0x78: {  	_ =	shalt  }
0x79: {  	_ =	shalt  }
0x7a: {  	_ =	shalt  }
0x7b: {  	_ =	shalt  }
0x7c: {  	_ =	shalt  }
0x7d: {  	_ =	shalt  }
0x7e: {  	_ =	shalt  }
0x7f: {  	_ =	shalt  }
0x80: {  	_ =	shalt  }
0x81: {  	_ =	shalt  }
0x82: {  	_ =	shalt  }
0x83: {  	_ =	shalt  }
0x84: {  	_ =	shalt  }
0x85: {  	_ =	shalt  }
0x86: {  	_ =	shalt  }
0x87: {  	_ =	shalt  }
.Lfunc_end0:
.L_simem_size_0:
called_computation_lowered:
.L_overlay_start_0:
0x88: {  	s2 =	sld [smem:$0x3FD9]  }
0x89: {  	s3 =	sld [smem:$0x3FFE];
	_ =	sdelay $0x1  }
0x8a: {  	s1 =	srdreg.scid  }
0x8b: {  	s0 =	sand.u32 $0x1, s1  }
0x8c: {  	s17 =	sshll.u32 s0, $0xA;
	s2 =	sadd.s32 s3, s2  }
0x8d: {  	s2 =	sadd.s32 s2, s17  }
0x8e: {  	[smem:$0x3FC6] =	sst s2  }
0x8f: {  	_ = 	snop  }
0x90: {  	s2 =	sld [smem:$0x3FD0];
	(tm) =	ssettm $0x1  }
0x91: {  	s18 =	sld [smem:$0x3FFB];
	_ =	sdelay $0x3  }
0x92: {  	_ =	strace s18  }
0x93: {  	s3 =	sld [smem:$0x3FFC];
	_ =	sdelay $0x3  }
0x94: {  	_ =	strace s3  }
0x95: {  	s3 =	sld [smem:$0x3FFD];
	_ =	sdelay $0x3  }
0x96: {  	_ =	strace s3  }
0x97: {  	_ =	strace $0x8FFFFFFF  }
0x98: {  	s19 =	sld [smem:$0x3FDB];
	_ =	sdelay $0x1  }
0x99: {  	s4 =	simm.s32 $_scs_section_size  }
0x9a: {  	s5 =	simm.s32 $_size__tile_overlayer_lowered;
	s6 =	simm.s32 $_tile_overlayer_lowered  }
0x9b: {  	s22 =	simm.s32 $0x1BFF;
	s21 =	sshll.u32 s6, $0x1;
	s3 =	sadd.s32 s4, s19  }
0x9c: {  	s7 =	simm.s32 $0x0;
	s20 =	sshll.u32 s5, $0x1;
	s5 =	sadd.s32 s21, s3  }
0x9d: {  	[timem:s7], [sflag:s22] =	dma.local [hbm:s5], s20  }
0x9e: {  	_ =	swait.ge [sflag:s22], s20  }
0x9f: {  	s4 =	ssub.s32 $0x0, s20;
	[sflag:s22] =	ssyncset.done $0x0  }
0xa0: {  	[sflag:s22] =	ssyncadd.s32 s4;
	_ =	sdelay $0x1  }
0xa1: {  	s23 =	simm.s32 $0x1B8B  }
0xa2: {  	_ =	swait.ge [sflag:s23], $0x1  }
0xa3: {  	[sflag:s23] =	ssyncset.done $0x0  }
0xa4: {  	s25 =	simm.s32 $0x1B8E;
	s24 =	sld [smem:$0x3FFE];
	[sflag:s23] =	ssyncadd.s32 $0xFFFFFFFF  }
0xa5: {  	s26 =	simm.s32 $execute0_lowered;
	[smem:$0x3FD2] =	sst s25  }
0xa6: {  	s5 =	sshll.u32 s26, $0x1;
	_ =	strace $0x80000046;
	[dreg:$0x1] =	wrdreg $0xFFFFFFFF  }
0xa7: {  	s28 =	simm.s32 $_size_execute0_lowered;
	s3 =	sadd.s32 s3, s5;
	[dreg:$0x0] =	wrdreg $0x0  }
0xa8: {  	s5 =	sshll.u32 s28, $0x1;
	[dreg:$0x2] =	wrdreg s3  }
0xa9: {  	[dreg:$0x3] =	wrdreg s5  }
0xaa: {  	[dreg:$0x4] =	wrdreg $0xC0  }
0xab: {  	_ =	task [dreg:s7], $0x5FFFF  }
0xac: {  	[dreg:$0x1] =	wrdreg $0xFFFFFFFF  }
0xad: {  	[dreg:$0x0] =	wrdreg $0x60  }
0xae: {  	[dreg:$0x2] =	wrdreg s2  }
0xaf: {  	[dreg:$0x3] =	wrdreg s24  }
0xb0: {  	[dreg:$0x4] =	wrdreg $0x0  }
0xb1: {  	[dreg:$0x5] =	wrdreg $0x9  }
0xb2: {  	_ =	task.clear_ibuf [dreg:s7], $0x6FFFF;
	_ =	strace $0x90000046  }
0xb3: {  	s29 =	simm.s32 $0x9;
	_ =	strace $0x80000048  }
0xb4: {  	_ =	swait.ge [sflag:s29], $0x1  }
0xb5: {  	[sflag:s29] =	ssyncadd.s32 $0xFFFFFFFF  }
0xb6: {  	_ =	strace $0x90000048  }
0xb7: {  	_ =	sfence  }
0xb8: {  	s30 =	sld [smem:$0x0];
	_ =	sdelay $0x2  }
0xb9: {  	s31 =	sshll.u32 s1, $0xD;
	s1 =	sshrl.u32 s1, $0x2  }
0xba: {  	s3 =	sand.u32 $0x4000, s31;
	s1 =	sadd.s32 s1, s30  }
0xbb: {  	s0 =	sor.u32 s3, s0;
	s1 =	sshll.u32 s1, $0x11  }
0xbc: {  	s0 =	sor.u32 s1, s0  }
0xbd: {  	s0 =	sadd.s32 $0x8F2B, s0  }
0xbe: {  	[sflag:s0] =	ssyncadd.remote.s32 $0x1  }
0xbf: {  	_ =	sfence.sel $0xFFFF  }
0xc0: {  	[dreg:$0x0] =	wrdreg $0xFFFFFFFF;
	(pc) =	sbr.abs _section_cstart, $3  }
0xc1: {  	[dreg:$0x1] =	wrdreg $0xFFFFFFFF  }
0xc2: {  	_ =	task.clear_ibuf [dreg:s7], $0x2FFFF;
	_ =	strace $0x9FFFFFFF  }
0xc3: {  	(tm) =	ssettm $0x7FFFFFFF  }
tec
execute0_lowered:
.L_overlay_start_1:
0x0: {  	(tag) =	ssettag $0x1  }
0x1: {  	s0 =	rddreg [dreg:$0x0]  }
0x2: {  	s4 =	rddreg [dreg:$0x1]  }
0x3: {  	s1 =	rddreg [dreg:$0x2]  }
0x4: {  	s2 =	srdreg.scid;
	s10 =	stileid.u32  }
0x5: {  	s13 =	simm.s32 $0x80;
	s15 =	simm.s32 $0xC438;
	s16 =	simm.s32 $0x1  }
0x6: {  	s17 =	simm.s32 $0x48;
	s19 =	simm.s32 $0x10438;
	s21 =	simm.s32 $0x12838  }
0x7: {  	s22 =	simm.s32 $0x6180;
	s23 =	simm.s32 $0x16838;
	s24 =	simm.s32 $0x2  }
0x8: {  	s25 =	simm.s32 $0x3;
	s26 =	simm.s32 $0x0;
	s5 =	sand.u32 $0x1, s2  }
0x9: {  	s2 =	simm.s32 $0x0;
	s3 =	sshll.u32 s10, $0x8;
	s8 =	sadd.s32 $0x4400, s4  }
0xa: {  	s9 =	smul.u32 $0xC8000, s10;
	p0 =	sne.s32 s10, $0x0;
	s10 =	simm.s32 $0xC38  }
0xb: {  	v0 =	vimm.s32 $0xFEDCBA98;
	s6 =	sshll.u32 s5, $0x7;
	[smem:$0x7FF] =	sst s2;
	s30 =	ssub.s32 $0x2, s5  }
0xc: {  	v1 =	vimm.s32 $0x76543210;
	v0 =	vunpack.c.l.s4.s8 v0;
	s12 =	smul.u32 $0x64000, s5;
	s6 =	sor.u32 s6, s3;
	_ =	strace $0x80000047  }
0xd: {  	v1 =	vunpack.c.l.s4.s8 v1;
	s3 =	sadd.s32 $0x400, s4;
	s11 =	sshrl.u32 s30, $0x1;
	s31 =	sadd.s32 s9, s8  }
0xe: {  	v0 =	vunpack.c.0.s8.s32 v0;
	s7 =	smul.u32 $0xC80, s6;
	s6 =	sshll.u32 s6, $0x5;
	s11 =	ssub.s32 s30, s11  }
0xf: {  	v1 =	vunpack.c.0.s8.s32 v1;
	s4 =	sadd.s32 s0, s6;
	s0 =	sadd.s32 s12, s31;
	s12 =	simm.s32 $0x2038  }
0x10: {  	v0 =	vand.u32 $0xF, v0;
	s5 =	sadd.s32 $0x800, s4;
	s6 =	sadd.s32 s8, s7;
	s7 =	smax.u32 s11, $0x1  }
0x11: {  	vm0 =	vmmov $0xff;
	s9 =	sadd.s32 $0x1900, s0;
	s11 =	simm.s32 $0x4;
	v0 =	vcombine.low v0, v1;
	s8 =	sadd.s32 $0xC80, s6  }
.LBB2_1:
.Ltmp0:
0x12: {  	(pc) =	sbr.rel @p0 .LBB2_5-.Ltmp0, $1  }
0x13: {  	_ =	sdelay $0x3  }
0x14: {  	s0 =	sadd.s32 $0x0, s3  }
0x15: {  	[tilespmem:s10], [sflag:$0x4] =	stream.linear.gather [hbm4b:s0+s2], $0x1400, $0x38;
	[tilespmem:$0x18C38] =	vst v63  }
0x16: {  	_ =	swait.ge [sflag:s11], $0x1400  }
0x17: {  	[sflag:s11] =	ssyncset.done $0x0  }
0x18: {  	[sflag:s11] =	ssyncadd.s32 $0xFFFFEC00  }
0x19: {  	[spmem:s1] =	stream.linear.scatter [tilespmem:s10], [sflag:$0x4], $0x1400, $0x38;
	[tilespmem:$0x18C38] =	vst v63  }
0x1a: {  	s14 =	simm.s32 $0x280;
	_ =	swait.ge [sflag:s11], $0x1400  }
0x1b: {  	s18 =	simm.s32 $0x500;
	s0 =	sadd.s32 $0x1400, s1;
	[sflag:s11] =	ssyncset.done $0x0  }
.LBB2_3:
0x1c: {  	s28 =	sadd.s32 s14, s3  }
0x1d: {  	[sflag:s11] =	ssyncadd.s32 $0xFFFFEC00;
	s14 =	smov.u32 s18;
	s29 =	sadd.s32 $0x280, s18  }
0x1e: {  	[tilespmem:s10], [sflag:$0x4] =	stream.linear.gather [hbm4b:s28+s2], $0x1400, $0x38;
	[tilespmem:$0x18C38] =	vst v63  }
0x1f: {  	p1 =	sne.s32 s18, $0x3C00;
	_ =	swait.ge [sflag:s11], $0x1400  }
.Ltmp1:
0x20: {  	[sflag:s11] =	ssyncset.done $0x0;
	(pc) =	sbr.rel @p1 .LBB2_3-.Ltmp1, $4  }
0x21: {  	[sflag:s11] =	ssyncadd.s32 $0xFFFFEC00  }
0x22: {  	[spmem:s0] =	stream.linear.scatter [tilespmem:s10], [sflag:$0x4], $0x1400, $0x38;
	[tilespmem:$0x18C38] =	vst v63  }
0x23: {  	_ =	swait.ge [sflag:s11], $0x1400  }
0x24: {  	s18 =	smov.u32 s29;
	s0 =	sadd.s32 $0x1400, s0;
	[sflag:s11] =	ssyncset.done $0x0  }
0x25: {  	s14 =	sadd.s32 s14, s3;
	[sflag:s11] =	ssyncadd.s32 $0xFFFFEC00  }
0x26: {  	[tilespmem:s10], [sflag:$0x4] =	stream.linear.gather [hbm4b:s14+s2], $0x1400, $0x38;
	[tilespmem:$0x18C38] =	vst v63  }
0x27: {  	_ =	swait.ge [sflag:s11], $0x1400  }
0x28: {  	[sflag:s11] =	ssyncset.done $0x0  }
0x29: {  	[sflag:s11] =	ssyncadd.s32 $0xFFFFEC00  }
0x2a: {  	[spmem:s0] =	stream.linear.scatter [tilespmem:s10], [sflag:$0x4], $0x1400, $0x38;
	[tilespmem:$0x18C38] =	vst v63  }
0x2b: {  	_ =	swait.ge [sflag:s11], $0x1400  }
0x2c: {  	[sflag:s11] =	ssyncset.done $0x0  }
0x2d: {  	[sflag:s11] =	ssyncadd.s32 $0xFFFFEC00  }
.LBB2_5:
0x2e: {  	s0 =	simm.s32 $0x0  }
0x2f: {  	[tilespmem:s12], [sflag:$0x4] =	stream.linear.gather [hbm4b:s4+s0], $0x4000, $0x38;
	[tilespmem:$0x18C38] =	vst v63  }
0x30: {  	_ =	swait.ge [sflag:s11], $0x4000  }
0x31: {  	s14 =	sand.u32 $0x3800, s0;
	s18 =	sand.u32 $0x380, s0;
	[sflag:s11] =	ssyncset.done $0x0  }
0x32: {  	s14 =	sor.u32 s18, s14;
	[sflag:s11] =	ssyncadd.s32 $0xFFFFC000  }
0x33: {  	v1 =	vld [tilespmem:s14+$0x2038];
	_ =	sdelay $0x3  }
0x34: {  	s28 =	simm.s32 $0x6098  }
0x35: {  	[tilespmem:s28+$0xFFFFFFA0] =	vst v1  }
0x36: {  	v1 =	vld [tilespmem:s14+$0x2048];
	_ =	sdelay $0x4  }
0x37: {  	[tilespmem:s28+$0xFFFFFFB0] =	vst v1  }
0x38: {  	v1 =	vld [tilespmem:s14+$0x2058];
	_ =	sdelay $0x4  }
0x39: {  	[tilespmem:s28+$0xFFFFFFC0] =	vst v1  }
0x3a: {  	v1 =	vld [tilespmem:s14+$0x2068];
	_ =	sdelay $0x4  }
0x3b: {  	[tilespmem:s28+$0xFFFFFFD0] =	vst v1  }
0x3c: {  	v1 =	vld [tilespmem:s14+$0x2078];
	_ =	sdelay $0x4  }
0x3d: {  	[tilespmem:s28+$0xFFFFFFE0] =	vst v1  }
0x3e: {  	v1 =	vld [tilespmem:s14+$0x2088];
	_ =	sdelay $0x4  }
0x3f: {  	[tilespmem:s28+$0xFFFFFFF0] =	vst v1  }
0x40: {  	v1 =	vld [tilespmem:s14+$0x2098];
	_ =	sdelay $0x4  }
0x41: {  	[tilespmem:s28+$0x0] =	vst v1  }
0x42: {  	v1 =	vld [tilespmem:s14+$0x20A8];
	_ =	sdelay $0x4  }
0x43: {  	[tilespmem:s28+$0x10] =	vst v1  }
0x44: {  	v1 =	vld [tilespmem:s14+$0x2438];
	_ =	sdelay $0x3  }
0x45: {  	s0 =	sand.u32 $0x3FF8, s0  }
0x46: {  	[tilespmem:s0+$0x60B8] =	vst v1  }
0x47: {  	v1 =	vld [tilespmem:s14+$0x2448];
	_ =	sdelay $0x4  }
0x48: {  	[tilespmem:s28+$0x30] =	vst v1  }
0x49: {  	v1 =	vld [tilespmem:s14+$0x2458];
	_ =	sdelay $0x4  }
0x4a: {  	[tilespmem:s28+$0x40] =	vst v1  }
0x4b: {  	v1 =	vld [tilespmem:s14+$0x2468];
	_ =	sdelay $0x4  }
0x4c: {  	[tilespmem:s28+$0x50] =	vst v1  }
0x4d: {  	v2 =	vld.msk [tilespmem:s14+$0x2478], $0xff;
	_ =	sdelay $0x4  }
0x4e: {  	v1 =	vperm.xlane v1, v0;
	v2 =	vperm.xlane v2, v0  }
0x4f: {  	s29 =	simm.s32 $0xC8;
	s30 =	simm.s32 $0x80;
	s31 =	simm.s32 $0x100  }
0x50: {  	s18 =	sand.u32 $0x380, s30;
	s0 =	simm.s32 $0x190;
	s14 =	sand.u32 $0x3800, s31;
	v1 =	vsel vm0, v1, v2  }
.LBB2_6:
0x51: {  	p1 =	sne.s32 s0, $0x3138;
	s14 =	sor.u32 s18, s14;
	[tilespmem:s28+$0x58] =	vst v1  }
0x52: {  	v1 =	vld [tilespmem:s14+$0x2038];
	_ =	sdelay $0x3  }
0x53: {  	s28 =	sadd.s32 $0xC8, s28  }
0x54: {  	[tilespmem:s28+$0xFFFFFFA0] =	vst v1  }
0x55: {  	v1 =	vld [tilespmem:s14+$0x2048];
	_ =	sdelay $0x4  }
0x56: {  	[tilespmem:s28+$0xFFFFFFB0] =	vst v1  }
0x57: {  	v1 =	vld [tilespmem:s14+$0x2058];
	_ =	sdelay $0x4  }
0x58: {  	[tilespmem:s28+$0xFFFFFFC0] =	vst v1  }
0x59: {  	v1 =	vld [tilespmem:s14+$0x2068];
	_ =	sdelay $0x4  }
0x5a: {  	[tilespmem:s28+$0xFFFFFFD0] =	vst v1  }
0x5b: {  	v1 =	vld [tilespmem:s14+$0x2078];
	_ =	sdelay $0x4  }
0x5c: {  	[tilespmem:s28+$0xFFFFFFE0] =	vst v1  }
0x5d: {  	v1 =	vld [tilespmem:s14+$0x2088];
	_ =	sdelay $0x4  }
0x5e: {  	[tilespmem:s28+$0xFFFFFFF0] =	vst v1  }
0x5f: {  	v1 =	vld [tilespmem:s14+$0x2098];
	_ =	sdelay $0x4  }
0x60: {  	[tilespmem:s28+$0x0] =	vst v1  }
0x61: {  	v1 =	vld [tilespmem:s14+$0x20A8];
	_ =	sdelay $0x4  }
0x62: {  	[tilespmem:s28+$0x10] =	vst v1  }
0x63: {  	v1 =	vld [tilespmem:s14+$0x2438];
	_ =	sdelay $0x3  }
0x64: {  	s18 =	sand.u32 $0x3FF8, s29;
	s29 =	smov.u32 s0  }
0x65: {  	[tilespmem:s18+$0x60B8] =	vst v1  }
0x66: {  	v1 =	vld [tilespmem:s14+$0x2448];
	_ =	sdelay $0x4  }
0x67: {  	[tilespmem:s28+$0x30] =	vst v1  }
0x68: {  	v1 =	vld [tilespmem:s14+$0x2458];
	_ =	sdelay $0x4  }
0x69: {  	[tilespmem:s28+$0x40] =	vst v1  }
0x6a: {  	v1 =	vld [tilespmem:s14+$0x2468];
	_ =	sdelay $0x4  }
0x6b: {  	[tilespmem:s28+$0x50] =	vst v1  }
0x6c: {  	v2 =	vld.msk [tilespmem:s14+$0x2478], $0xff;
	_ =	sdelay $0x2  }
.Ltmp2:
0x6d: {  	(pc) =	sbr.rel @p1 .LBB2_6-.Ltmp2, $4  }
0x6e: {  	_ = 	snop  }
0x6f: {  	v1 =	vperm.xlane v1, v0;
	v2 =	vperm.xlane v2, v0  }
0x70: {  	s30 =	sadd.s32 $0x80, s30;
	s31 =	sadd.s32 $0x100, s31  }
0x71: {  	s0 =	sadd.s32 $0xC8, s0;
	s18 =	sand.u32 $0x380, s30;
	s14 =	sand.u32 $0x3800, s31;
	v1 =	vsel vm0, v1, v2  }
0x72: {  	s0 =	sor.u32 s18, s14;
	[tilespmem:s28+$0x58] =	vst v1  }
0x73: {  	v1 =	vld [tilespmem:s0+$0x2038];
	_ =	sdelay $0x3  }
0x74: {  	s14 =	sadd.s32 $0xC8, s28  }
0x75: {  	[tilespmem:s14+$0xFFFFFFA0] =	vst v1  }
0x76: {  	v1 =	vld [tilespmem:s0+$0x2048];
	_ =	sdelay $0x4  }
0x77: {  	[tilespmem:s14+$0xFFFFFFB0] =	vst v1  }
0x78: {  	v1 =	vld [tilespmem:s0+$0x2058];
	_ =	sdelay $0x4  }
0x79: {  	[tilespmem:s14+$0xFFFFFFC0] =	vst v1  }
0x7a: {  	v1 =	vld [tilespmem:s0+$0x2068];
	_ =	sdelay $0x4  }
0x7b: {  	[tilespmem:s14+$0xFFFFFFD0] =	vst v1  }
0x7c: {  	v1 =	vld [tilespmem:s0+$0x2078];
	_ =	sdelay $0x4  }
0x7d: {  	[tilespmem:s14+$0xFFFFFFE0] =	vst v1  }
0x7e: {  	v1 =	vld [tilespmem:s0+$0x2088];
	_ =	sdelay $0x4  }
0x7f: {  	[tilespmem:s14+$0xFFFFFFF0] =	vst v1  }
0x80: {  	v1 =	vld [tilespmem:s0+$0x2098];
	_ =	sdelay $0x4  }
0x81: {  	[tilespmem:s14+$0x0] =	vst v1  }
0x82: {  	v1 =	vld [tilespmem:s0+$0x20A8];
	_ =	sdelay $0x4  }
0x83: {  	[tilespmem:s14+$0x10] =	vst v1  }
0x84: {  	v1 =	vld [tilespmem:s0+$0x2438];
	_ =	sdelay $0x3  }
0x85: {  	s20 =	sand.u32 $0x3FF8, s29  }
0x86: {  	[tilespmem:s20+$0x60B8] =	vst v1  }
0x87: {  	v1 =	vld [tilespmem:s0+$0x2448];
	_ =	sdelay $0x4  }
0x88: {  	[tilespmem:s14+$0x30] =	vst v1  }
0x89: {  	v1 =	vld [tilespmem:s0+$0x2458];
	_ =	sdelay $0x4  }
0x8a: {  	[tilespmem:s14+$0x40] =	vst v1  }
0x8b: {  	v1 =	vld [tilespmem:s0+$0x2468];
	_ =	sdelay $0x4  }
0x8c: {  	[tilespmem:s14+$0x50] =	vst v1  }
0x8d: {  	v2 =	vld.msk [tilespmem:s0+$0x2478], $0xff;
	_ =	sdelay $0x4  }
0x8e: {  	v1 =	vperm.xlane v1, v0;
	v2 =	vperm.xlane v2, v0;
	_ =	sdelay $0x1  }
0x8f: {  	v1 =	vsel vm0, v1, v2  }
0x90: {  	s0 =	simm.s32 $0x0;
	[tilespmem:s14+$0x58] =	vst v1  }
0x91: {  	[tilespmem:s12], [sflag:$0x4] =	stream.linear.gather [hbm4b:s5+s0], $0x4000, $0x38;
	[tilespmem:$0x18C38] =	vst v63  }
0x92: {  	_ =	swait.ge [sflag:s11], $0x4000  }
0x93: {  	s18 =	sand.u32 $0x3800, s0;
	s20 =	sand.u32 $0x380, s0;
	[sflag:s11] =	ssyncset.done $0x0  }
0x94: {  	s14 =	sor.u32 s20, s18;
	[sflag:s11] =	ssyncadd.s32 $0xFFFFC000  }
0x95: {  	v1 =	vld [tilespmem:s14+$0x2038];
	_ =	sdelay $0x3  }
0x96: {  	s0 =	sand.u32 $0x3FF8, s0  }
0x97: {  	[tilespmem:s0+$0x9238] =	vst v1  }
0x98: {  	v1 =	vld [tilespmem:s14+$0x2048];
	_ =	sdelay $0x3  }
0x99: {  	s28 =	simm.s32 $0x92F0  }
0x9a: {  	[tilespmem:s28+$0xFFFFFF58] =	vst v1  }
0x9b: {  	v1 =	vld [tilespmem:s14+$0x2058];
	_ =	sdelay $0x4  }
0x9c: {  	[tilespmem:s28+$0xFFFFFF68] =	vst v1  }
0x9d: {  	v1 =	vld [tilespmem:s14+$0x2068];
	_ =	sdelay $0x4  }
0x9e: {  	[tilespmem:s28+$0xFFFFFF78] =	vst v1  }
0x9f: {  	v1 =	vld [tilespmem:s14+$0x2078];
	_ =	sdelay $0x4  }
0xa0: {  	[tilespmem:s28+$0xFFFFFF88] =	vst v1  }
0xa1: {  	v1 =	vld [tilespmem:s14+$0x2088];
	_ =	sdelay $0x4  }
0xa2: {  	[tilespmem:s28+$0xFFFFFF98] =	vst v1  }
0xa3: {  	v1 =	vld [tilespmem:s14+$0x2098];
	_ =	sdelay $0x4  }
0xa4: {  	[tilespmem:s28+$0xFFFFFFA8] =	vst v1  }
0xa5: {  	v1 =	vld [tilespmem:s14+$0x20A8];
	_ =	sdelay $0x4  }
0xa6: {  	[tilespmem:s28+$0xFFFFFFB8] =	vst v1  }
0xa7: {  	v1 =	vld [tilespmem:s14+$0x2438];
	_ =	sdelay $0x4  }
0xa8: {  	[tilespmem:s0+$0x92B8] =	vst v1  }
0xa9: {  	v1 =	vld [tilespmem:s14+$0x2448];
	_ =	sdelay $0x4  }
0xaa: {  	[tilespmem:s28+$0xFFFFFFD8] =	vst v1  }
0xab: {  	v1 =	vld [tilespmem:s14+$0x2458];
	_ =	sdelay $0x4  }
0xac: {  	[tilespmem:s28+$0xFFFFFFE8] =	vst v1  }
0xad: {  	v1 =	vld [tilespmem:s14+$0x2468];
	_ =	sdelay $0x4  }
0xae: {  	[tilespmem:s28+$0xFFFFFFF8] =	vst v1  }
0xaf: {  	v2 =	vld.msk [tilespmem:s14+$0x2478], $0xff;
	_ =	sdelay $0x4  }
0xb0: {  	v1 =	vperm.xlane v1, v0;
	v2 =	vperm.xlane v2, v0  }
0xb1: {  	s29 =	simm.s32 $0xC8;
	s30 =	simm.s32 $0x80;
	s31 =	simm.s32 $0x100  }
0xb2: {  	s18 =	sand.u32 $0x380, s30;
	s0 =	simm.s32 $0x190;
	s14 =	sand.u32 $0x3800, s31;
	v1 =	vsel vm0, v1, v2  }
.LBB2_8:
0xb3: {  	p1 =	sne.s32 s0, $0x3138;
	s14 =	sor.u32 s18, s14;
	[tilespmem:s28+$0x0] =	vst v1;
	s28 =	sadd.s32 $0xC8, s28  }
0xb4: {  	s20 =	smov.u32 s0;
	s0 =	sadd.s32 $0xC8, s0;
	v1 =	vld [tilespmem:s14+$0x2038];
	_ =	sdelay $0x3  }
0xb5: {  	s18 =	sand.u32 $0x3FF8, s29;
	s29 =	smov.u32 s20  }
0xb6: {  	[tilespmem:s18+$0x9238] =	vst v1  }
0xb7: {  	v1 =	vld [tilespmem:s14+$0x2048];
	_ =	sdelay $0x4  }
0xb8: {  	[tilespmem:s28+$0xFFFFFF58] =	vst v1  }
0xb9: {  	v1 =	vld [tilespmem:s14+$0x2058];
	_ =	sdelay $0x4  }
0xba: {  	[tilespmem:s28+$0xFFFFFF68] =	vst v1  }
0xbb: {  	v1 =	vld [tilespmem:s14+$0x2068];
	_ =	sdelay $0x4  }
0xbc: {  	[tilespmem:s28+$0xFFFFFF78] =	vst v1  }
0xbd: {  	v1 =	vld [tilespmem:s14+$0x2078];
	_ =	sdelay $0x4  }
0xbe: {  	[tilespmem:s28+$0xFFFFFF88] =	vst v1  }
0xbf: {  	v1 =	vld [tilespmem:s14+$0x2088];
	_ =	sdelay $0x4  }
0xc0: {  	[tilespmem:s28+$0xFFFFFF98] =	vst v1  }
0xc1: {  	v1 =	vld [tilespmem:s14+$0x2098];
	_ =	sdelay $0x4  }
0xc2: {  	[tilespmem:s28+$0xFFFFFFA8] =	vst v1  }
0xc3: {  	v1 =	vld [tilespmem:s14+$0x20A8];
	_ =	sdelay $0x4  }
0xc4: {  	[tilespmem:s28+$0xFFFFFFB8] =	vst v1  }
0xc5: {  	v1 =	vld [tilespmem:s14+$0x2438];
	_ =	sdelay $0x4  }
0xc6: {  	[tilespmem:s18+$0x92B8] =	vst v1  }
0xc7: {  	v1 =	vld [tilespmem:s14+$0x2448];
	_ =	sdelay $0x4  }
0xc8: {  	[tilespmem:s28+$0xFFFFFFD8] =	vst v1  }
0xc9: {  	v1 =	vld [tilespmem:s14+$0x2458];
	_ =	sdelay $0x4  }
0xca: {  	[tilespmem:s28+$0xFFFFFFE8] =	vst v1  }
0xcb: {  	v1 =	vld [tilespmem:s14+$0x2468];
	_ =	sdelay $0x4  }
0xcc: {  	[tilespmem:s28+$0xFFFFFFF8] =	vst v1  }
0xcd: {  	v2 =	vld.msk [tilespmem:s14+$0x2478], $0xff;
	_ =	sdelay $0x2  }
.Ltmp3:
0xce: {  	(pc) =	sbr.rel @p1 .LBB2_8-.Ltmp3, $4  }
0xcf: {  	_ = 	snop  }
0xd0: {  	v1 =	vperm.xlane v1, v0;
	v2 =	vperm.xlane v2, v0  }
0xd1: {  	s30 =	sadd.s32 $0x80, s30;
	s31 =	sadd.s32 $0x100, s31  }
0xd2: {  	s18 =	sand.u32 $0x380, s30;
	s14 =	sand.u32 $0x3800, s31;
	v1 =	vsel vm0, v1, v2  }
0xd3: {  	s0 =	sor.u32 s18, s14;
	[tilespmem:s28+$0x0] =	vst v1  }
0xd4: {  	v1 =	vld [tilespmem:s0+$0x2038];
	_ =	sdelay $0x3  }
0xd5: {  	s29 =	sand.u32 $0x3FF8, s29  }
0xd6: {  	[tilespmem:s29+$0x9238] =	vst v1  }
0xd7: {  	v1 =	vld [tilespmem:s0+$0x2048];
	_ =	sdelay $0x3  }
0xd8: {  	s30 =	sadd.s32 $0xC8, s28  }
0xd9: {  	[tilespmem:s30+$0xFFFFFF58] =	vst v1  }
0xda: {  	v1 =	vld [tilespmem:s0+$0x2058];
	_ =	sdelay $0x4  }
0xdb: {  	[tilespmem:s30+$0xFFFFFF68] =	vst v1  }
0xdc: {  	v1 =	vld [tilespmem:s0+$0x2068];
	_ =	sdelay $0x4  }
0xdd: {  	[tilespmem:s30+$0xFFFFFF78] =	vst v1  }
0xde: {  	v1 =	vld [tilespmem:s0+$0x2078];
	_ =	sdelay $0x4  }
0xdf: {  	[tilespmem:s30+$0xFFFFFF88] =	vst v1  }
0xe0: {  	v1 =	vld [tilespmem:s0+$0x2088];
	_ =	sdelay $0x4  }
0xe1: {  	[tilespmem:s30+$0xFFFFFF98] =	vst v1  }
0xe2: {  	v1 =	vld [tilespmem:s0+$0x2098];
	_ =	sdelay $0x4  }
0xe3: {  	[tilespmem:s30+$0xFFFFFFA8] =	vst v1  }
0xe4: {  	v1 =	vld [tilespmem:s0+$0x20A8];
	_ =	sdelay $0x4  }
0xe5: {  	[tilespmem:s30+$0xFFFFFFB8] =	vst v1  }
0xe6: {  	v1 =	vld [tilespmem:s0+$0x2438];
	_ =	sdelay $0x4  }
0xe7: {  	[tilespmem:s29+$0x92B8] =	vst v1  }
0xe8: {  	v1 =	vld [tilespmem:s0+$0x2448];
	_ =	sdelay $0x4  }
0xe9: {  	[tilespmem:s30+$0xFFFFFFD8] =	vst v1  }
0xea: {  	v1 =	vld [tilespmem:s0+$0x2458];
	_ =	sdelay $0x4  }
0xeb: {  	[tilespmem:s30+$0xFFFFFFE8] =	vst v1  }
0xec: {  	v1 =	vld [tilespmem:s0+$0x2468];
	_ =	sdelay $0x4  }
0xed: {  	[tilespmem:s30+$0xFFFFFFF8] =	vst v1  }
0xee: {  	v2 =	vld.msk [tilespmem:s0+$0x2478], $0xff;
	_ =	sdelay $0x4  }
0xef: {  	v1 =	vperm.xlane v1, v0;
	v2 =	vperm.xlane v2, v0;
	_ =	sdelay $0x1  }
0xf0: {  	v1 =	vsel vm0, v1, v2  }
0xf1: {  	[tilespmem:s30+$0x0] =	vst v1  }
0xf2: {  	s31 =	simm.s32 $0x6038;
	[bflag:$0x0] =	sbarrier.arrive $0xFFFF  }
0xf3: {  	[tilespmem:s15], [sflag:$0x1] =	stream.indirect.gather [spmem:s1], $0x32, s31, s13, $0xb8;
	[tilespmem:$0x18C38] =	vst v63  }
0xf4: {  	_ =	swait.ge [sflag:s16], $0x1900  }
0xf5: {  	[sflag:s16] =	ssyncset.done $0x0  }
0xf6: {  	s14 =	simm.s32 $0x60B8;
	[sflag:s16] =	ssyncadd.s32 $0xFFFFE700  }
0xf7: {  	[tilespmem:s19], [sflag:$0x1] =	stream.indirect.gather [spmem:s1], $0x32, s14, s17, $0xb8;
	[tilespmem:$0x18C38] =	vst v63  }
0xf8: {  	_ =	swait.ge [sflag:s16], $0xE10  }
0xf9: {  	[sflag:s16] =	ssyncset.done $0x0  }
0xfa: {  	s18 =	simm.s32 $0x0;
	[sflag:s16] =	ssyncadd.s32 $0xFFFFF1F0  }
0xfb: {  	[hbm4b:s6+s18] =	stream.linear.scatter [tilespmem:s15], [sflag:$0x2], $0x6400, $0x38;
	[tilespmem:$0x18C38] =	vst v63  }
0xfc: {  	s20 =	simm.s32 $0x6100  }
0xfd: {  	[tilespmem:s21], [sflag:$0x1] =	stream.indirect.gather [spmem:s1], $0x32, s20, s13, $0xb8;
	[tilespmem:$0x18C38] =	vst v63  }
0xfe: {  	_ =	swait.ge [sflag:s16], $0x1900  }
0xff: {  	[sflag:s16] =	ssyncset.done $0x0  }
0x100: {  	[sflag:s16] =	ssyncadd.s32 $0xFFFFE700  }
0x101: {  	[tilespmem:s23], [sflag:$0x1] =	stream.indirect.gather [spmem:s1], $0x32, s22, s17, $0xb8;
	[tilespmem:$0x18C38] =	vst v63  }
0x102: {  	_ =	swait.ge [sflag:s16], $0xE10  }
0x103: {  	[sflag:s16] =	ssyncset.done $0x0  }
0x104: {  	[sflag:s16] =	ssyncadd.s32 $0xFFFFF1F0  }
0x105: {  	[hbm4b:s8+s18] =	stream.linear.scatter [tilespmem:s21], [sflag:$0x3], $0x6400, $0x38;
	[tilespmem:$0x18C38] =	vst v63  }
0x106: {  	_ =	swait.ge [sflag:s24], $0x6400  }
0x107: {  	[sflag:s24] =	ssyncset.done $0x0  }
0x108: {  	s28 =	simm.s32 $0x61C8;
	[sflag:s24] =	ssyncadd.s32 $0xFFFF9C00  }
0x109: {  	[tilespmem:s15], [sflag:$0x1] =	stream.indirect.gather [spmem:s1], $0x32, s28, s13, $0xb8;
	[tilespmem:$0x18C38] =	vst v63  }
0x10a: {  	_ =	swait.ge [sflag:s16], $0x1900  }
0x10b: {  	[sflag:s16] =	ssyncset.done $0x0  }
0x10c: {  	s29 =	simm.s32 $0x6248;
	[sflag:s16] =	ssyncadd.s32 $0xFFFFE700  }
0x10d: {  	[tilespmem:s19], [sflag:$0x1] =	stream.indirect.gather [spmem:s1], $0x32, s29, s17, $0xb8;
	[tilespmem:$0x18C38] =	vst v63  }
0x10e: {  	_ =	swait.ge [sflag:s16], $0xE10  }
0x10f: {  	[sflag:s16] =	ssyncset.done $0x0  }
0x110: {  	[sflag:s16] =	ssyncadd.s32 $0xFFFFF1F0  }
0x111: {  	[hbm4b:s9+s2] =	stream.linear.scatter [tilespmem:s15], [sflag:$0x2], $0x6400, $0x38;
	[tilespmem:$0x18C38] =	vst v63  }
0x112: {  	_ =	swait.ge [sflag:s25], $0x6400  }
0x113: {  	[sflag:s25] =	ssyncset.done $0x0  }
0x114: {  	s30 =	simm.s32 $0x6290;
	[sflag:s25] =	ssyncadd.s32 $0xFFFF9C00  }
0x115: {  	[tilespmem:s21], [sflag:$0x1] =	stream.indirect.gather [spmem:s1], $0x32, s30, s13, $0xb8;
	[tilespmem:$0x18C38] =	vst v63  }
0x116: {  	_ =	swait.ge [sflag:s16], $0x1900  }
0x117: {  	[sflag:s16] =	ssyncset.done $0x0  }
0x118: {  	s31 =	simm.s32 $0x6310;
	[sflag:s16] =	ssyncadd.s32 $0xFFFFE700  }
0x119: {  	[tilespmem:s23], [sflag:$0x1] =	stream.indirect.gather [spmem:s1], $0x32, s31, s17, $0xb8;
	[tilespmem:$0x18C38] =	vst v63  }
0x11a: {  	_ =	swait.ge [sflag:s16], $0xE10  }
0x11b: {  	s0 =	simm.s32 $0x640;
	[sflag:s16] =	ssyncset.done $0x0  }
0x11c: {  	s14 =	sadd.s32 $0x1900, s9;
	s18 =	sadd.s32 $0xC80, s9;
	[sflag:s16] =	ssyncadd.s32 $0xFFFFF1F0  }
.LBB2_10:
0x11d: {  	[hbm4b:s18+s2] =	stream.linear.scatter [tilespmem:s21], [sflag:$0x3], $0x6400, $0x38;
	[tilespmem:$0x18C38] =	vst v63  }
0x11e: {  	s18 =	smov.u32 s0  }
0x11f: {  	p1 =	sne.s32 s0, $0x18380;
	s0 =	sadd.s32 $0x640, s0;
	_ =	swait.ge [sflag:s24], $0x6400  }
0x120: {  	s18 =	sshra.s32 s18, $0x2;
	[sflag:s24] =	ssyncset.done $0x0  }
0x121: {  	s20 =	sadd.s32 $0x61C8, s18;
	[sflag:s24] =	ssyncadd.s32 $0xFFFF9C00  }
0x122: {  	[tilespmem:s15], [sflag:$0x1] =	stream.indirect.gather [spmem:s1], $0x32, s20, s13, $0xb8;
	[tilespmem:$0x18C38] =	vst v63  }
0x123: {  	_ =	swait.ge [sflag:s16], $0x1900  }
0x124: {  	[sflag:s16] =	ssyncset.done $0x0  }
0x125: {  	s20 =	sadd.s32 $0x6248, s18;
	[sflag:s16] =	ssyncadd.s32 $0xFFFFE700  }
0x126: {  	[tilespmem:s19], [sflag:$0x1] =	stream.indirect.gather [spmem:s1], $0x32, s20, s17, $0xb8;
	[tilespmem:$0x18C38] =	vst v63  }
0x127: {  	_ =	swait.ge [sflag:s16], $0xE10  }
0x128: {  	[sflag:s16] =	ssyncset.done $0x0  }
0x129: {  	[sflag:s16] =	ssyncadd.s32 $0xFFFFF1F0  }
0x12a: {  	[hbm4b:s14+s2] =	stream.linear.scatter [tilespmem:s15], [sflag:$0x2], $0x6400, $0x38;
	[tilespmem:$0x18C38] =	vst v63  }
0x12b: {  	_ =	swait.ge [sflag:s25], $0x6400  }
0x12c: {  	[sflag:s25] =	ssyncset.done $0x0  }
0x12d: {  	s20 =	sadd.s32 $0x6290, s18;
	[sflag:s25] =	ssyncadd.s32 $0xFFFF9C00  }
0x12e: {  	[tilespmem:s21], [sflag:$0x1] =	stream.indirect.gather [spmem:s1], $0x32, s20, s13, $0xb8;
	[tilespmem:$0x18C38] =	vst v63  }
0x12f: {  	_ =	swait.ge [sflag:s16], $0x1900  }
0x130: {  	[sflag:s16] =	ssyncset.done $0x0  }
.Ltmp4:
0x131: {  	s18 =	sadd.s32 $0x6310, s18;
	[sflag:s16] =	ssyncadd.s32 $0xFFFFE700;
	(pc) =	sbr.rel @p1 .LBB2_10-.Ltmp4, $4  }
0x132: {  	[tilespmem:s23], [sflag:$0x1] =	stream.indirect.gather [spmem:s1], $0x32, s18, s17, $0xb8;
	[tilespmem:$0x18C38] =	vst v63  }
0x133: {  	_ =	swait.ge [sflag:s16], $0xE10  }
0x134: {  	[sflag:s16] =	ssyncset.done $0x0  }
0x135: {  	s18 =	sadd.s32 $0xC80, s14;
	s14 =	sadd.s32 $0x1900, s14;
	[sflag:s16] =	ssyncadd.s32 $0xFFFFF1F0  }
0x136: {  	[hbm4b:s18+s2] =	stream.linear.scatter [tilespmem:s21], [sflag:$0x3], $0x6400, $0x38;
	[tilespmem:$0x18C38] =	vst v63  }
0x137: {  	s26 =	sadd.s32 $0x1, s26  }
0x138: {  	_ =	swait.ge [sflag:s24], $0x6400;
	p1 =	sne.s32 s26, s7  }
.Ltmp5:
0x139: {  	[sflag:s24] =	ssyncset.done $0x0;
	(pc) =	sbr.rel @p1 .LBB2_1-.Ltmp5, $4  }
0x13a: {  	[sflag:s24] =	ssyncadd.s32 $0xFFFF9C00  }
0x13b: {  	_ =	swait.ge [sflag:s25], $0x6400  }
0x13c: {  	[sflag:s25] =	ssyncset.done $0x0  }
0x13d: {  	[sflag:s25] =	ssyncadd.s32 $0xFFFF9C00  }
0x13e: {  	_ =	sfence.sel $0x180000  }
0x13f: {  	[bflag:$0x0] =	sbarrier.arrive $0xFFFF  }
0x140: {  	_ =	strace $0x90000047  }
0x141: {  	[bflag:$0x2] =	sbarrier.arrive $0xFFFF  }
0x142: {  	s0 =	rddreg [dreg:$0x3]  }
0x143: {  	s0 =	sadd.s32 @!p0 $0x100000, s0  }
0x144: {  	[sflag:s0] =	ssyncadd.tile.s32 @!p0 $0x1;
	_ =	shalt  }
.Lfunc_end2:
_tile_overlayer_lowered:
.L_overlay_start_2:
0x145: {  	(tag) =	ssettag $0x2  }
0x146: {  	s0 =	rddreg [dreg:$0x0];
	s2 =	stileid.u32  }
0x147: {  	s1 =	rddreg [dreg:$0x1];
	p0 =	sne.s32 s2, $0x0  }
0x148: {  	s3 =	rddreg [dreg:$0x2];
	[bflag:$0x3] =	sbarrier.arrive $0xFFFF;
	s2 =	simm.s32 @!p0 $0x1C04  }
0x149: {  	[timem:s3], [sflag:s2] =	dma.local @!p0 [hbm:s0], s1  }
0x14a: {  	s0 =	simm.s32 @!p0 $0x4  }
0x14b: {  	_ =	swait.ge @!p0 [sflag:s0], s1  }
0x14c: {  	s1 =	ssub.s32 @!p0 $0x0, s1;
	[sflag:s0] =	ssyncset.done @!p0 $0x0  }
0x14d: {  	[sflag:s0] =	ssyncadd.s32 @!p0 s1  }
0x14e: {  	[bflag:$0x3] =	sbarrier.arrive $0xFFFF  }
0x14f: {  	_ =	shalt  }

</sc_bundles>
